<compile_context>
chip_gen: v7x
topology: tpu7x:2x2x1
jax: 0.10.2.dev20260603
libtpu: 0.0.44.dev20260713+nightly
codegen_flags: <defaults>
</compile_context>

<pallas_src>
import functools

import jax
import jax.numpy as jnp
import numpy as np
from jax import lax
from jax.experimental import pallas as pl
from jax.experimental.pallas import tpu as pltpu
from jax.experimental.pallas import tpu_sc as plsc

_NBINS = 256
_B, _H, _W, _C = 64, 512, 512, 3
_PIX = _H * _W
_NC, _NS, _L = 2, 16, 16
_NW = _NC * _NS
_IMGS_PER_W = _B // _NW
_CHUNK_PX = 16384
_CHUNKS_PER_IMG = _PIX // _CHUNK_PX
_TOTAL_CHUNKS = _CHUNKS_PER_IMG * _IMGS_PER_W
_PAIRS = _CHUNK_PX // (2 * _L)
_HIST_W = _IMGS_PER_W * _L * _NBINS
_INV = 1.0 / float(_PIX)


def _bf16_rne(v: float) -> float:
    u = np.float32(v).view(np.uint32)
    u = (u + np.uint32(0x7FFF) + ((u >> np.uint32(16)) & np.uint32(1)))
    return float((u & np.uint32(0xFFFF0000)).view(np.float32))


_W0 = _bf16_rne(0.2989) * _NBINS
_W1 = _bf16_rne(0.5870) * _NBINS
_W2 = _bf16_rne(0.1140) * _NBINS

_MAGIC = float(2.0 ** 23) - 0.5

_mesh = plsc.VectorSubcoreMesh(
    core_axis_name="c", subcore_axis_name="s",
    num_cores=_NC, num_subcores=_NS)


@functools.partial(
    pl.kernel,
    out_type=jax.ShapeDtypeStruct((_B * _NBINS,), jnp.float32),
    mesh=_mesh,
    scratch_types=[
        pltpu.VMEM((_CHUNK_PX,), jnp.float32),
        pltpu.VMEM((_CHUNK_PX,), jnp.float32),
        pltpu.VMEM((_CHUNK_PX,), jnp.float32),
        pltpu.VMEM((_CHUNK_PX,), jnp.float32),
        pltpu.VMEM((_CHUNK_PX,), jnp.float32),
        pltpu.VMEM((_CHUNK_PX,), jnp.float32),
        pltpu.VMEM((_HIST_W,), jnp.float32),
        pltpu.VMEM((_NBINS,), jnp.float32),
        pltpu.SemaphoreType.DMA,
        pltpu.SemaphoreType.DMA,
    ],
    compiler_params=pltpu.CompilerParams(needs_layout_passes=False),
)
def _hist_sc(x_hbm, out_hbm, br0, bg0, bb0, br1, bg1, bb1, hist, ostage,
             sem0, sem1):
    cid = lax.axis_index("c")
    sid = lax.axis_index("s")
    wid = sid * _NC + cid
    img0 = wid * _IMGS_PER_W
    fbase = img0 * (_PIX * _C)

    zeros = jnp.zeros((_L,), jnp.float32)
    ones = jnp.ones((_L,), jnp.float32)
    iota = lax.iota(jnp.int32, _L)
    lane_base = iota * _NBINS

    def _zbody(i, carry):
        hist[pl.ds(pl.multiple_of(i * _L, _L), _L)] = zeros
        return carry
    lax.fori_loop(0, _HIST_W // _L, _zbody, 0)

    sems = (sem0, sem1)
    bufsets = ((br0, bg0, bb0), (br1, bg1, bb1))

    def _plane_off(c, plane):
        img_l = jnp.where(c >= _CHUNKS_PER_IMG, 1, 0)
        ci = c - img_l * _CHUNKS_PER_IMG
        return pl.multiple_of(
            fbase + img_l * (_PIX * _C) + plane * _PIX + ci * _CHUNK_PX,
            _CHUNK_PX)

    def _start(c, b):
        for plane, buf in enumerate(bufsets[b]):
            pltpu.make_async_copy(
                x_hbm.at[pl.ds(_plane_off(c, plane), _CHUNK_PX)],
                buf, sems[b]).start()

    def _wait(b):
        for buf in bufsets[b]:
            pltpu.make_async_copy(
                x_hbm.at[pl.ds(0, _CHUNK_PX)], buf, sems[b]).wait()

    def _process(c, b):
        _wait(b)
        br, bg, bb = bufsets[b]
        hbase = (lane_base - jnp.int32(0x4B000000)) + jnp.where(
            c >= _CHUNKS_PER_IMG, _L * _NBINS, 0)

        def _rnd(v):
            u = plsc.bitcast(v, jnp.uint32)
            return plsc.bitcast(
                (u + jnp.uint32(0x8000)) & jnp.uint32(0xFFFF0000),
                jnp.float32)

        @plsc.parallel_loop(0, _CHUNK_PX, step=2 * _L, unroll=4)
        def _gbody(o):
            o0 = pl.multiple_of(o, 2 * _L)
            o1 = pl.multiple_of(o0 + _L, _L)
            r0, r1 = _rnd(br[pl.ds(o0, _L)]), _rnd(br[pl.ds(o1, _L)])
            g0, g1 = _rnd(bg[pl.ds(o0, _L)]), _rnd(bg[pl.ds(o1, _L)])
            b0, b1 = _rnd(bb[pl.ds(o0, _L)]), _rnd(bb[pl.ds(o1, _L)])
            acc0 = (r0 * _W0 + g0 * _W1) + b0 * _W2
            acc1 = (r1 * _W0 + g1 * _W1) + b1 * _W2
            i0 = plsc.bitcast(acc0 + _MAGIC, jnp.int32) + hbase
            i1 = plsc.bitcast(acc1 + _MAGIC, jnp.int32) + hbase
            plsc.addupdate_scatter(hist, [i0], ones)
            plsc.addupdate_scatter(hist, [i1], ones)

    _start(0, 0)

    def _cbody(c2, carry):
        c = c2 * 2
        _start(c + 1, 1)
        _process(c, 0)

        @pl.when(c2 < _TOTAL_CHUNKS // 2 - 1)
        def _():
            _start(c + 2, 0)
        _process(c + 1, 1)
        return carry
    lax.fori_loop(0, _TOTAL_CHUNKS // 2, _cbody, 0)

    for img_local in range(_IMGS_PER_W):
        def _rbody(g, carry, img_local=img_local):
            gb = pl.multiple_of(g * _L, _L)
            acc = zeros
            for l in range(_L):
                off = pl.multiple_of(
                    img_local * (_L * _NBINS) + l * _NBINS + gb, _L)
                acc = acc + hist[pl.ds(off, _L)]
            ostage[pl.ds(gb, _L)] = acc * _INV
            return carry
        lax.fori_loop(0, _NBINS // _L, _rbody, 0)
        oimg = img0 + img_local
        base0 = pl.multiple_of(
            (oimg >> 3) * 2048 + (oimg & 7) * 128, 128)
        pltpu.sync_copy(ostage.at[pl.ds(0, 128)],
                        out_hbm.at[pl.ds(base0, 128)])
        pltpu.sync_copy(ostage.at[pl.ds(128, 128)],
                        out_hbm.at[pl.ds(base0 + 1024, 128)])


def kernel(inputs):
    x = inputs.astype(jnp.float32)
    y = x.transpose(0, 3, 1, 2)
    y = y.reshape(_B, _C, _H // 8, 8, _W // 128, 128)
    y = y.transpose(0, 1, 2, 4, 3, 5)
    flat = y.reshape(-1)
    out = _hist_sc(flat)
    o = out.reshape(_B // 8, _NBINS // 128, 8, 128)
    o = o.transpose(0, 2, 1, 3)
    return o.reshape(_B, _NBINS)

# --- scband reference (transcript-rebuilt; emitter-appended) ---
"""Pipeline reference for scband-histogram-layer-1511828488271 (READ-ONLY COPY).

The authoritative reference and input builder live on the scoring server;
editing this copy changes nothing except your own understanding.
"""

import jax, jax.numpy as jnp
import numpy as np

NBINS = 256
VMIN, VMAX = 0.0, 1.0


def setup_inputs(seed: int = 0) -> dict:
    key = jax.random.key(seed)
    x = jax.random.uniform(key, (64, 512, 512, 3), dtype=jnp.float32)
    return {"inputs": x}


def reference(inputs):
    x = inputs.astype(jnp.float32)
    # tf.image.rgb_to_grayscale luma weights
    rgb_w = jnp.array([0.2989, 0.5870, 0.1140], dtype=jnp.float32)
    gray = jnp.tensordot(x, rgb_w, axes=([-1], [0]))  # [B, H, W]

    def per_image(img):
        flat = img.reshape(-1)
        # tf.histogram_fixed_width semantics: scale into [0, nbins), clip out-of-range to edge bins
        scaled = (flat - VMIN) / (VMAX - VMIN) * NBINS
        idx = jnp.clip(jnp.floor(scaled).astype(jnp.int32), 0, NBINS - 1)
        hist = jnp.zeros((NBINS,), jnp.float32).at[idx].add(1.0)
        s = jnp.sum(hist)
        return jnp.where(s > 0, hist / s, hist)

    return jax.vmap(per_image)(gray)

if __name__ == "__main__":
    import jax
    _d = setup_inputs()
    print(jax.jit(kernel)(*tuple(_d.values())))

</pallas_src>

<mosaic_0001>
#map = affine_map<(d0, d1) -> (0)>
module attributes {stable_mosaic.version = 14 : i64} {
  func.func @_hist_sc(%arg0: i32, %arg1: i32, %arg2: memref<50331648xf32, #tpu.memory_space<hbm>>, %arg3: memref<16384xf32, #tpu.memory_space<hbm>>, %arg4: memref<16384xf32, #tpu.memory_space<vmem>>, %arg5: memref<16384xf32, #tpu.memory_space<vmem>>, %arg6: memref<16384xf32, #tpu.memory_space<vmem>>, %arg7: memref<16384xf32, #tpu.memory_space<vmem>>, %arg8: memref<16384xf32, #tpu.memory_space<vmem>>, %arg9: memref<16384xf32, #tpu.memory_space<vmem>>, %arg10: memref<8192xf32, #tpu.memory_space<vmem>>, %arg11: memref<256xf32, #tpu.memory_space<vmem>>, %arg12: memref<!tpu.dma_semaphore, #tpu.memory_space<semaphore_mem>>, %arg13: memref<!tpu.dma_semaphore, #tpu.memory_space<semaphore_mem>>) attributes {dimension_semantics = [#tpu.dimension_semantics<core_parallel>, #tpu.dimension_semantics<subcore_parallel>], iteration_bounds = array<i64: 2, 16>, scalar_prefetch = 0 : i64, scratch_operands = 10 : i64, tpu.core_type = #tpu.core_type<sc_vector_subcore>, window_params = [{transform_indices = #map}, {transform_indices = #map}]} {
    %mul3A = arith.constant 2 : i32
    %mul3A_0 = arith.muli %arg1, %mul3A : i32
    %add3A = arith.addi %mul3A_0, %arg0 : i32
    %mul3A_1 = arith.constant 2 : i32
    %mul3A_2 = arith.muli %add3A, %mul3A_1 : i32
    %mul3A_3 = arith.constant 786432 : i32
    %mul3A_4 = arith.muli %mul3A_2, %mul3A_3 : i32
    %broadcast_in_dim3A = arith.constant 0.000000e+00 : f32
    %broadcast_in_dim3A_5 = vector.broadcast %broadcast_in_dim3A : f32 to vector<16xf32>
    %broadcast_in_dim3A_6 = arith.constant 1.000000e+00 : f32
    %broadcast_in_dim3A_7 = vector.broadcast %broadcast_in_dim3A_6 : f32 to vector<16xf32>
    %iota3A = tpu.iota {dimensions = array<i32: 0>} : vector<16xi32>
    %mul3A_8 = arith.constant 256 : i32
    %mul3A_9 = vector.broadcast %mul3A_8 : i32 to vector<16xi32>
    %mul3A_10 = arith.muli %iota3A, %mul3A_9 : vector<16xi32>
    %scan3A = arith.constant 0 : i32
    %scan3A_11 = arith.constant 0 : i32
    %scan3A_12 = arith.constant 512 : i32
    %scan3A_13 = arith.addi %scan3A_11, %scan3A_12 : i32
    %scan3A_14 = arith.constant 1 : i32
    scf.for %scan3A_112 = %scan3A_11 to %scan3A_13 step %scan3A_14  : i32 {
      %mul3A_113 = arith.constant 16 : i32
      %mul3A_114 = arith.muli %scan3A_112, %mul3A_113 : i32
      %multiple_of3A_115 = tpu.assume_multiple %mul3A_114, 16 : i32
      %swap3A = arith.index_cast %multiple_of3A_115 : i32 to index
      %swap3A_116 = tpu.vector_load %arg10[%swap3A] {strides = array<i32>} : memref<8192xf32, #tpu.memory_space<vmem>>, vector<16xf32>,
      tpu.vector_store %arg10[%swap3A], %broadcast_in_dim3A_5 {strides = array<i32>} : memref<8192xf32, #tpu.memory_space<vmem>>, vector<16xf32>,
    }
    %scan3A_15 = arith.constant 512 : i32
    %jit3A = arith.constant false
    %jit3A_16 = arith.constant 1 : i32
    %jit3A_17 = arith.constant 0 : i32
    %select_n3A = arith.select %jit3A, %jit3A_16, %jit3A_17 : i32
    %mul3A_18 = arith.constant 16 : i32
    %mul3A_19 = arith.muli %select_n3A, %mul3A_18 : i32
    %sub3A = arith.constant 0 : i32
    %sub3A_20 = arith.subi %sub3A, %mul3A_19 : i32
    %mul3A_21 = arith.constant 786432 : i32
    %mul3A_22 = arith.muli %select_n3A, %mul3A_21 : i32
    %add3A_23 = arith.addi %mul3A_4, %mul3A_22 : i32
    %add3A_24 = arith.constant 0 : i32
    %add3A_25 = arith.addi %add3A_23, %add3A_24 : i32
    %mul3A_26 = arith.constant 16384 : i32
    %mul3A_27 = arith.muli %sub3A_20, %mul3A_26 : i32
    %add3A_28 = arith.addi %add3A_25, %mul3A_27 : i32
    %multiple_of3A = tpu.assume_multiple %add3A_28, 16384 : i32
    %dma_start3A = tpu.memref_slice %arg2[%multiple_of3A] : memref<50331648xf32, #tpu.memory_space<hbm>> -> memref<16384xf32, #tpu.memory_space<hbm>>
    %dma_start3A_29 = tpu.memref_slice %arg2[%multiple_of3A] : memref<50331648xf32, #tpu.memory_space<hbm>> -> memref<16384xf32, #tpu.memory_space<hbm>>
    tpu.enqueue_dma source(%dma_start3A_29 : memref<16384xf32, #tpu.memory_space<hbm>>) target(%arg4 : memref<16384xf32, #tpu.memory_space<vmem>>) target_semaphore(%arg12 : memref<!tpu.dma_semaphore, #tpu.memory_space<semaphore_mem>>)
    %jit3A_30 = arith.constant false
    %jit3A_31 = arith.constant 1 : i32
    %jit3A_32 = arith.constant 0 : i32
    %select_n3A_33 = arith.select %jit3A_30, %jit3A_31, %jit3A_32 : i32
    %mul3A_34 = arith.constant 16 : i32
    %mul3A_35 = arith.muli %select_n3A_33, %mul3A_34 : i32
    %sub3A_36 = arith.constant 0 : i32
    %sub3A_37 = arith.subi %sub3A_36, %mul3A_35 : i32
    %mul3A_38 = arith.constant 786432 : i32
    %mul3A_39 = arith.muli %select_n3A_33, %mul3A_38 : i32
    %add3A_40 = arith.addi %mul3A_4, %mul3A_39 : i32
    %add3A_41 = arith.constant 262144 : i32
    %add3A_42 = arith.addi %add3A_40, %add3A_41 : i32
    %mul3A_43 = arith.constant 16384 : i32
    %mul3A_44 = arith.muli %sub3A_37, %mul3A_43 : i32
    %add3A_45 = arith.addi %add3A_42, %mul3A_44 : i32
    %multiple_of3A_46 = tpu.assume_multiple %add3A_45, 16384 : i32
    %dma_start3A_47 = tpu.memref_slice %arg2[%multiple_of3A_46] : memref<50331648xf32, #tpu.memory_space<hbm>> -> memref<16384xf32, #tpu.memory_space<hbm>>
    %dma_start3A_48 = tpu.memref_slice %arg2[%multiple_of3A_46] : memref<50331648xf32, #tpu.memory_space<hbm>> -> memref<16384xf32, #tpu.memory_space<hbm>>
    tpu.enqueue_dma source(%dma_start3A_48 : memref<16384xf32, #tpu.memory_space<hbm>>) target(%arg5 : memref<16384xf32, #tpu.memory_space<vmem>>) target_semaphore(%arg12 : memref<!tpu.dma_semaphore, #tpu.memory_space<semaphore_mem>>)
    %jit3A_49 = arith.constant false
    %jit3A_50 = arith.constant 1 : i32
    %jit3A_51 = arith.constant 0 : i32
    %select_n3A_52 = arith.select %jit3A_49, %jit3A_50, %jit3A_51 : i32
    %mul3A_53 = arith.constant 16 : i32
    %mul3A_54 = arith.muli %select_n3A_52, %mul3A_53 : i32
    %sub3A_55 = arith.constant 0 : i32
    %sub3A_56 = arith.subi %sub3A_55, %mul3A_54 : i32
    %mul3A_57 = arith.constant 786432 : i32
    %mul3A_58 = arith.muli %select_n3A_52, %mul3A_57 : i32
    %add3A_59 = arith.addi %mul3A_4, %mul3A_58 : i32
    %add3A_60 = arith.constant 524288 : i32
    %add3A_61 = arith.addi %add3A_59, %add3A_60 : i32
    %mul3A_62 = arith.constant 16384 : i32
    %mul3A_63 = arith.muli %sub3A_56, %mul3A_62 : i32
    %add3A_64 = arith.addi %add3A_61, %mul3A_63 : i32
    %multiple_of3A_65 = tpu.assume_multiple %add3A_64, 16384 : i32
    %dma_start3A_66 = tpu.memref_slice %arg2[%multiple_of3A_65] : memref<50331648xf32, #tpu.memory_space<hbm>> -> memref<16384xf32, #tpu.memory_space<hbm>>
    %dma_start3A_67 = tpu.memref_slice %arg2[%multiple_of3A_65] : memref<50331648xf32, #tpu.memory_space<hbm>> -> memref<16384xf32, #tpu.memory_space<hbm>>
    tpu.enqueue_dma source(%dma_start3A_67 : memref<16384xf32, #tpu.memory_space<hbm>>) target(%arg6 : memref<16384xf32, #tpu.memory_space<vmem>>) target_semaphore(%arg12 : memref<!tpu.dma_semaphore, #tpu.memory_space<semaphore_mem>>)
    %scan3A_68 = arith.constant 0 : i32
    %scan3A_69 = arith.constant 0 : i32
    %scan3A_70 = arith.constant 16 : i32
    %scan3A_71 = arith.addi %scan3A_69, %scan3A_70 : i32
    %scan3A_72 = arith.constant 1 : i32
    scf.for %scan3A_112 = %scan3A_69 to %scan3A_71 step %scan3A_72  : i32 {
      %mul3A_113 = arith.constant 2 : i32
      %mul3A_114 = arith.muli %scan3A_112, %mul3A_113 : i32
      %add3A_115 = arith.constant 1 : i32
      %add3A_116 = arith.addi %mul3A_114, %add3A_115 : i32
      %ge3A = arith.constant 16 : i32
      %ge3A_117 = arith.cmpi sge, %add3A_116, %ge3A : i32
      %jit3A_118 = arith.constant 1 : i32
      %jit3A_119 = arith.constant 0 : i32
      %select_n3A_120 = arith.select %ge3A_117, %jit3A_118, %jit3A_119 : i32
      %mul3A_121 = arith.constant 16 : i32
      %mul3A_122 = arith.muli %select_n3A_120, %mul3A_121 : i32
      %sub3A_123 = arith.subi %add3A_116, %mul3A_122 : i32
      %mul3A_124 = arith.constant 786432 : i32
      %mul3A_125 = arith.muli %select_n3A_120, %mul3A_124 : i32
      %add3A_126 = arith.addi %mul3A_4, %mul3A_125 : i32
      %add3A_127 = arith.constant 0 : i32
      %add3A_128 = arith.addi %add3A_126, %add3A_127 : i32
      %mul3A_129 = arith.constant 16384 : i32
      %mul3A_130 = arith.muli %sub3A_123, %mul3A_129 : i32
      %add3A_131 = arith.addi %add3A_128, %mul3A_130 : i32
      %multiple_of3A_132 = tpu.assume_multiple %add3A_131, 16384 : i32
      %dma_start3A_133 = tpu.memref_slice %arg2[%multiple_of3A_132] : memref<50331648xf32, #tpu.memory_space<hbm>> -> memref<16384xf32, #tpu.memory_space<hbm>>
      %dma_start3A_134 = tpu.memref_slice %arg2[%multiple_of3A_132] : memref<50331648xf32, #tpu.memory_space<hbm>> -> memref<16384xf32, #tpu.memory_space<hbm>>
      tpu.enqueue_dma source(%dma_start3A_134 : memref<16384xf32, #tpu.memory_space<hbm>>) target(%arg7 : memref<16384xf32, #tpu.memory_space<vmem>>) target_semaphore(%arg13 : memref<!tpu.dma_semaphore, #tpu.memory_space<semaphore_mem>>)
      %ge3A_135 = arith.constant 16 : i32
      %ge3A_136 = arith.cmpi sge, %add3A_116, %ge3A_135 : i32
      %jit3A_137 = arith.constant 1 : i32
      %jit3A_138 = arith.constant 0 : i32
      %select_n3A_139 = arith.select %ge3A_136, %jit3A_137, %jit3A_138 : i32
      %mul3A_140 = arith.constant 16 : i32
      %mul3A_141 = arith.muli %select_n3A_139, %mul3A_140 : i32
      %sub3A_142 = arith.subi %add3A_116, %mul3A_141 : i32
      %mul3A_143 = arith.constant 786432 : i32
      %mul3A_144 = arith.muli %select_n3A_139, %mul3A_143 : i32
      %add3A_145 = arith.addi %mul3A_4, %mul3A_144 : i32
      %add3A_146 = arith.constant 262144 : i32
      %add3A_147 = arith.addi %add3A_145, %add3A_146 : i32
      %mul3A_148 = arith.constant 16384 : i32
      %mul3A_149 = arith.muli %sub3A_142, %mul3A_148 : i32
      %add3A_150 = arith.addi %add3A_147, %mul3A_149 : i32
      %multiple_of3A_151 = tpu.assume_multiple %add3A_150, 16384 : i32
      %dma_start3A_152 = tpu.memref_slice %arg2[%multiple_of3A_151] : memref<50331648xf32, #tpu.memory_space<hbm>> -> memref<16384xf32, #tpu.memory_space<hbm>>
      %dma_start3A_153 = tpu.memref_slice %arg2[%multiple_of3A_151] : memref<50331648xf32, #tpu.memory_space<hbm>> -> memref<16384xf32, #tpu.memory_space<hbm>>
      tpu.enqueue_dma source(%dma_start3A_153 : memref<16384xf32, #tpu.memory_space<hbm>>) target(%arg8 : memref<16384xf32, #tpu.memory_space<vmem>>) target_semaphore(%arg13 : memref<!tpu.dma_semaphore, #tpu.memory_space<semaphore_mem>>)
      %ge3A_154 = arith.constant 16 : i32
      %ge3A_155 = arith.cmpi sge, %add3A_116, %ge3A_154 : i32
      %jit3A_156 = arith.constant 1 : i32
      %jit3A_157 = arith.constant 0 : i32
      %select_n3A_158 = arith.select %ge3A_155, %jit3A_156, %jit3A_157 : i32
      %mul3A_159 = arith.constant 16 : i32
      %mul3A_160 = arith.muli %select_n3A_158, %mul3A_159 : i32
      %sub3A_161 = arith.subi %add3A_116, %mul3A_160 : i32
      %mul3A_162 = arith.constant 786432 : i32
      %mul3A_163 = arith.muli %select_n3A_158, %mul3A_162 : i32
      %add3A_164 = arith.addi %mul3A_4, %mul3A_163 : i32
      %add3A_165 = arith.constant 524288 : i32
      %add3A_166 = arith.addi %add3A_164, %add3A_165 : i32
      %mul3A_167 = arith.constant 16384 : i32
      %mul3A_168 = arith.muli %sub3A_161, %mul3A_167 : i32
      %add3A_169 = arith.addi %add3A_166, %mul3A_168 : i32
      %multiple_of3A_170 = tpu.assume_multiple %add3A_169, 16384 : i32
      %dma_start3A_171 = tpu.memref_slice %arg2[%multiple_of3A_170] : memref<50331648xf32, #tpu.memory_space<hbm>> -> memref<16384xf32, #tpu.memory_space<hbm>>
      %dma_start3A_172 = tpu.memref_slice %arg2[%multiple_of3A_170] : memref<50331648xf32, #tpu.memory_space<hbm>> -> memref<16384xf32, #tpu.memory_space<hbm>>
      tpu.enqueue_dma source(%dma_start3A_172 : memref<16384xf32, #tpu.memory_space<hbm>>) target(%arg9 : memref<16384xf32, #tpu.memory_space<vmem>>) target_semaphore(%arg13 : memref<!tpu.dma_semaphore, #tpu.memory_space<semaphore_mem>>)
      %dma_wait3A = arith.constant 0 : i32
      %dma_wait3A_173 = tpu.memref_slice %arg2[%dma_wait3A] : memref<50331648xf32, #tpu.memory_space<hbm>> -> memref<16384xf32, #tpu.memory_space<hbm>>
      %dma_wait3A_174 = arith.constant 0 : i32
      %dma_wait3A_175 = tpu.memref_slice %arg2[%dma_wait3A_174] : memref<50331648xf32, #tpu.memory_space<hbm>> -> memref<16384xf32, #tpu.memory_space<hbm>>
      tpu.wait_dma2 semaphore(%arg12 : memref<!tpu.dma_semaphore, #tpu.memory_space<semaphore_mem>>) src(%dma_wait3A_175 : memref<16384xf32, #tpu.memory_space<hbm>>) dst(%arg4 : memref<16384xf32, #tpu.memory_space<vmem>>)
      %dma_wait3A_176 = arith.constant 0 : i32
      %dma_wait3A_177 = tpu.memref_slice %arg2[%dma_wait3A_176] : memref<50331648xf32, #tpu.memory_space<hbm>> -> memref<16384xf32, #tpu.memory_space<hbm>>
      %dma_wait3A_178 = arith.constant 0 : i32
      %dma_wait3A_179 = tpu.memref_slice %arg2[%dma_wait3A_178] : memref<50331648xf32, #tpu.memory_space<hbm>> -> memref<16384xf32, #tpu.memory_space<hbm>>
      tpu.wait_dma2 semaphore(%arg12 : memref<!tpu.dma_semaphore, #tpu.memory_space<semaphore_mem>>) src(%dma_wait3A_179 : memref<16384xf32, #tpu.memory_space<hbm>>) dst(%arg5 : memref<16384xf32, #tpu.memory_space<vmem>>)
      %dma_wait3A_180 = arith.constant 0 : i32
      %dma_wait3A_181 = tpu.memref_slice %arg2[%dma_wait3A_180] : memref<50331648xf32, #tpu.memory_space<hbm>> -> memref<16384xf32, #tpu.memory_space<hbm>>
      %dma_wait3A_182 = arith.constant 0 : i32
      %dma_wait3A_183 = tpu.memref_slice %arg2[%dma_wait3A_182] : memref<50331648xf32, #tpu.memory_space<hbm>> -> memref<16384xf32, #tpu.memory_space<hbm>>
      tpu.wait_dma2 semaphore(%arg12 : memref<!tpu.dma_semaphore, #tpu.memory_space<semaphore_mem>>) src(%dma_wait3A_183 : memref<16384xf32, #tpu.memory_space<hbm>>) dst(%arg6 : memref<16384xf32, #tpu.memory_space<vmem>>)
      %sub3A_184 = arith.constant 1258291200 : i32
      %sub3A_185 = vector.broadcast %sub3A_184 : i32 to vector<16xi32>
      %sub3A_186 = arith.subi %mul3A_10, %sub3A_185 : vector<16xi32>
      %ge3A_187 = arith.constant 16 : i32
      %ge3A_188 = arith.cmpi sge, %mul3A_114, %ge3A_187 : i32
      %jit3A_189 = arith.constant 4096 : i32
      %jit3A_190 = arith.constant 0 : i32
      %select_n3A_191 = arith.select %ge3A_188, %jit3A_189, %jit3A_190 : i32
      %add3A_192 = vector.broadcast %select_n3A_191 : i32 to vector<16xi32>
      %add3A_193 = arith.addi %sub3A_186, %add3A_192 : vector<16xi32>
      %parallel_loop3A = arith.constant 0 : i32
      %parallel_loop3A_194 = arith.constant 16384 : i32
      %parallel_loop3A_195 = arith.constant 32 : i32
      scf.for %parallel_loop3A_225 = %parallel_loop3A to %parallel_loop3A_194 step %parallel_loop3A_195  : i32 {
        %parallel_loop3A_226 = tpu.assume_multiple %parallel_loop3A_225, 32 : i32
        %parallel_loop3A_227 = arith.constant 16 : i32
        %parallel_loop3A_228 = arith.addi %parallel_loop3A_226, %parallel_loop3A_227 : i32
        %parallel_loop3A_229 = tpu.assume_multiple %parallel_loop3A_228, 16 : i32
        %parallel_loop3A_230 = arith.index_cast %parallel_loop3A_226 : i32 to index
        %parallel_loop3A_231 = tpu.vector_load %arg4[%parallel_loop3A_230] {strides = array<i32>} : memref<16384xf32, #tpu.memory_space<vmem>>, vector<16xf32>,
        %parallel_loop3A_232 = vector.bitcast %parallel_loop3A_231 : vector<16xf32> to vector<16xi32>
        %parallel_loop3A_233 = arith.constant 32768 : i32
        %parallel_loop3A_234 = vector.broadcast %parallel_loop3A_233 : i32 to vector<16xi32>
        %parallel_loop3A_235 = arith.addi %parallel_loop3A_232, %parallel_loop3A_234 : vector<16xi32>
        %parallel_loop3A_236 = arith.constant -65536 : i32
        %parallel_loop3A_237 = vector.broadcast %parallel_loop3A_236 : i32 to vector<16xi32>
        %parallel_loop3A_238 = arith.andi %parallel_loop3A_235, %parallel_loop3A_237 : vector<16xi32>
        %parallel_loop3A_239 = vector.bitcast %parallel_loop3A_238 : vector<16xi32> to vector<16xf32>
        %parallel_loop3A_240 = arith.index_cast %parallel_loop3A_229 : i32 to index
        %parallel_loop3A_241 = tpu.vector_load %arg4[%parallel_loop3A_240] {strides = array<i32>} : memref<16384xf32, #tpu.memory_space<vmem>>, vector<16xf32>,
        %parallel_loop3A_242 = vector.bitcast %parallel_loop3A_241 : vector<16xf32> to vector<16xi32>
        %parallel_loop3A_243 = arith.constant 32768 : i32
        %parallel_loop3A_244 = vector.broadcast %parallel_loop3A_243 : i32 to vector<16xi32>
        %parallel_loop3A_245 = arith.addi %parallel_loop3A_242, %parallel_loop3A_244 : vector<16xi32>
        %parallel_loop3A_246 = arith.constant -65536 : i32
        %parallel_loop3A_247 = vector.broadcast %parallel_loop3A_246 : i32 to vector<16xi32>
        %parallel_loop3A_248 = arith.andi %parallel_loop3A_245, %parallel_loop3A_247 : vector<16xi32>
        %parallel_loop3A_249 = vector.bitcast %parallel_loop3A_248 : vector<16xi32> to vector<16xf32>
        %parallel_loop3A_250 = arith.index_cast %parallel_loop3A_226 : i32 to index
        %parallel_loop3A_251 = tpu.vector_load %arg5[%parallel_loop3A_250] {strides = array<i32>} : memref<16384xf32, #tpu.memory_space<vmem>>, vector<16xf32>,
        %parallel_loop3A_252 = vector.bitcast %parallel_loop3A_251 : vector<16xf32> to vector<16xi32>
        %parallel_loop3A_253 = arith.constant 32768 : i32
        %parallel_loop3A_254 = vector.broadcast %parallel_loop3A_253 : i32 to vector<16xi32>
        %parallel_loop3A_255 = arith.addi %parallel_loop3A_252, %parallel_loop3A_254 : vector<16xi32>
        %parallel_loop3A_256 = arith.constant -65536 : i32
        %parallel_loop3A_257 = vector.broadcast %parallel_loop3A_256 : i32 to vector<16xi32>
        %parallel_loop3A_258 = arith.andi %parallel_loop3A_255, %parallel_loop3A_257 : vector<16xi32>
        %parallel_loop3A_259 = vector.bitcast %parallel_loop3A_258 : vector<16xi32> to vector<16xf32>
        %parallel_loop3A_260 = arith.index_cast %parallel_loop3A_229 : i32 to index
        %parallel_loop3A_261 = tpu.vector_load %arg5[%parallel_loop3A_260] {strides = array<i32>} : memref<16384xf32, #tpu.memory_space<vmem>>, vector<16xf32>,
        %parallel_loop3A_262 = vector.bitcast %parallel_loop3A_261 : vector<16xf32> to vector<16xi32>
        %parallel_loop3A_263 = arith.constant 32768 : i32
        %parallel_loop3A_264 = vector.broadcast %parallel_loop3A_263 : i32 to vector<16xi32>
        %parallel_loop3A_265 = arith.addi %parallel_loop3A_262, %parallel_loop3A_264 : vector<16xi32>
        %parallel_loop3A_266 = arith.constant -65536 : i32
        %parallel_loop3A_267 = vector.broadcast %parallel_loop3A_266 : i32 to vector<16xi32>
        %parallel_loop3A_268 = arith.andi %parallel_loop3A_265, %parallel_loop3A_267 : vector<16xi32>
        %parallel_loop3A_269 = vector.bitcast %parallel_loop3A_268 : vector<16xi32> to vector<16xf32>
        %parallel_loop3A_270 = arith.index_cast %parallel_loop3A_226 : i32 to index
        %parallel_loop3A_271 = tpu.vector_load %arg6[%parallel_loop3A_270] {strides = array<i32>} : memref<16384xf32, #tpu.memory_space<vmem>>, vector<16xf32>,
        %parallel_loop3A_272 = vector.bitcast %parallel_loop3A_271 : vector<16xf32> to vector<16xi32>
        %parallel_loop3A_273 = arith.constant 32768 : i32
        %parallel_loop3A_274 = vector.broadcast %parallel_loop3A_273 : i32 to vector<16xi32>
        %parallel_loop3A_275 = arith.addi %parallel_loop3A_272, %parallel_loop3A_274 : vector<16xi32>
        %parallel_loop3A_276 = arith.constant -65536 : i32
        %parallel_loop3A_277 = vector.broadcast %parallel_loop3A_276 : i32 to vector<16xi32>
        %parallel_loop3A_278 = arith.andi %parallel_loop3A_275, %parallel_loop3A_277 : vector<16xi32>
        %parallel_loop3A_279 = vector.bitcast %parallel_loop3A_278 : vector<16xi32> to vector<16xf32>
        %parallel_loop3A_280 = arith.index_cast %parallel_loop3A_229 : i32 to index
        %parallel_loop3A_281 = tpu.vector_load %arg6[%parallel_loop3A_280] {strides = array<i32>} : memref<16384xf32, #tpu.memory_space<vmem>>, vector<16xf32>,
        %parallel_loop3A_282 = vector.bitcast %parallel_loop3A_281 : vector<16xf32> to vector<16xi32>
        %parallel_loop3A_283 = arith.constant 32768 : i32
        %parallel_loop3A_284 = vector.broadcast %parallel_loop3A_283 : i32 to vector<16xi32>
        %parallel_loop3A_285 = arith.addi %parallel_loop3A_282, %parallel_loop3A_284 : vector<16xi32>
        %parallel_loop3A_286 = arith.constant -65536 : i32
        %parallel_loop3A_287 = vector.broadcast %parallel_loop3A_286 : i32 to vector<16xi32>
        %parallel_loop3A_288 = arith.andi %parallel_loop3A_285, %parallel_loop3A_287 : vector<16xi32>
        %parallel_loop3A_289 = vector.bitcast %parallel_loop3A_288 : vector<16xi32> to vector<16xf32>
        %parallel_loop3A_290 = arith.constant 7.650000e+01 : f32
        %parallel_loop3A_291 = vector.broadcast %parallel_loop3A_290 : f32 to vector<16xf32>
        %parallel_loop3A_292 = arith.mulf %parallel_loop3A_239, %parallel_loop3A_291 : vector<16xf32>
        %parallel_loop3A_293 = arith.constant 1.500000e+02 : f32
        %parallel_loop3A_294 = vector.broadcast %parallel_loop3A_293 : f32 to vector<16xf32>
        %parallel_loop3A_295 = arith.mulf %parallel_loop3A_259, %parallel_loop3A_294 : vector<16xf32>
        %parallel_loop3A_296 = arith.addf %parallel_loop3A_292, %parallel_loop3A_295 : vector<16xf32>
        %parallel_loop3A_297 = arith.constant 2.912500e+01 : f32
        %parallel_loop3A_298 = vector.broadcast %parallel_loop3A_297 : f32 to vector<16xf32>
        %parallel_loop3A_299 = arith.mulf %parallel_loop3A_279, %parallel_loop3A_298 : vector<16xf32>
        %parallel_loop3A_300 = arith.addf %parallel_loop3A_296, %parallel_loop3A_299 : vector<16xf32>
        %parallel_loop3A_301 = arith.constant 7.650000e+01 : f32
        %parallel_loop3A_302 = vector.broadcast %parallel_loop3A_301 : f32 to vector<16xf32>
        %parallel_loop3A_303 = arith.mulf %parallel_loop3A_249, %parallel_loop3A_302 : vector<16xf32>
        %parallel_loop3A_304 = arith.constant 1.500000e+02 : f32
        %parallel_loop3A_305 = vector.broadcast %parallel_loop3A_304 : f32 to vector<16xf32>
        %parallel_loop3A_306 = arith.mulf %parallel_loop3A_269, %parallel_loop3A_305 : vector<16xf32>
        %parallel_loop3A_307 = arith.addf %parallel_loop3A_303, %parallel_loop3A_306 : vector<16xf32>
        %parallel_loop3A_308 = arith.constant 2.912500e+01 : f32
        %parallel_loop3A_309 = vector.broadcast %parallel_loop3A_308 : f32 to vector<16xf32>
        %parallel_loop3A_310 = arith.mulf %parallel_loop3A_289, %parallel_loop3A_309 : vector<16xf32>
        %parallel_loop3A_311 = arith.addf %parallel_loop3A_307, %parallel_loop3A_310 : vector<16xf32>
        %parallel_loop3A_312 = arith.constant 8388607.5 : f32
        %parallel_loop3A_313 = vector.broadcast %parallel_loop3A_312 : f32 to vector<16xf32>
        %parallel_loop3A_314 = arith.addf %parallel_loop3A_300, %parallel_loop3A_313 : vector<16xf32>
        %parallel_loop3A_315 = vector.bitcast %parallel_loop3A_314 : vector<16xf32> to vector<16xi32>
        %parallel_loop3A_316 = arith.addi %parallel_loop3A_315, %add3A_193 : vector<16xi32>
        %parallel_loop3A_317 = arith.constant 8388607.5 : f32
        %parallel_loop3A_318 = vector.broadcast %parallel_loop3A_317 : f32 to vector<16xf32>
        %parallel_loop3A_319 = arith.addf %parallel_loop3A_311, %parallel_loop3A_318 : vector<16xf32>
        %parallel_loop3A_320 = vector.bitcast %parallel_loop3A_319 : vector<16xf32> to vector<16xi32>
        %parallel_loop3A_321 = arith.addi %parallel_loop3A_320, %add3A_193 : vector<16xi32>
        tpu.vector_store_idx %arg10[%parallel_loop3A_316], %broadcast_in_dim3A_7 {add = true} : memref<8192xf32, #tpu.memory_space<vmem>>[vector<16xi32>], vector<16xf32>,
        tpu.vector_store_idx %arg10[%parallel_loop3A_321], %broadcast_in_dim3A_7 {add = true} : memref<8192xf32, #tpu.memory_space<vmem>>[vector<16xi32>], vector<16xf32>,
      } {sc.loop_unroll_factor = 4 : i64, sc.parallel_access}
      %lt3A = arith.constant 15 : i32
      %lt3A_196 = arith.cmpi slt, %scan3A_112, %lt3A : i32
      %convert_element_type3A = arith.extui %lt3A_196 : i1 to i32
      %cond3A = arith.constant 0 : i32
      %cond3A_197 = arith.cmpi ne, %convert_element_type3A, %cond3A : i32
      scf.if %cond3A_197 {
        %add3A_225 = arith.constant 2 : i32
        %add3A_226 = arith.addi %mul3A_114, %add3A_225 : i32
        %ge3A_227 = arith.constant 16 : i32
        %ge3A_228 = arith.cmpi sge, %add3A_226, %ge3A_227 : i32
        %jit3A_229 = arith.constant 1 : i32
        %jit3A_230 = arith.constant 0 : i32
        %select_n3A_231 = arith.select %ge3A_228, %jit3A_229, %jit3A_230 : i32
        %mul3A_232 = arith.constant 16 : i32
        %mul3A_233 = arith.muli %select_n3A_231, %mul3A_232 : i32
        %sub3A_234 = arith.subi %add3A_226, %mul3A_233 : i32
        %mul3A_235 = arith.constant 786432 : i32
        %mul3A_236 = arith.muli %select_n3A_231, %mul3A_235 : i32
        %add3A_237 = arith.addi %mul3A_4, %mul3A_236 : i32
        %add3A_238 = arith.constant 0 : i32
        %add3A_239 = arith.addi %add3A_237, %add3A_238 : i32
        %mul3A_240 = arith.constant 16384 : i32
        %mul3A_241 = arith.muli %sub3A_234, %mul3A_240 : i32
        %add3A_242 = arith.addi %add3A_239, %mul3A_241 : i32
        %multiple_of3A_243 = tpu.assume_multiple %add3A_242, 16384 : i32
        %dma_start3A_244 = tpu.memref_slice %arg2[%multiple_of3A_243] : memref<50331648xf32, #tpu.memory_space<hbm>> -> memref<16384xf32, #tpu.memory_space<hbm>>
        %dma_start3A_245 = tpu.memref_slice %arg2[%multiple_of3A_243] : memref<50331648xf32, #tpu.memory_space<hbm>> -> memref<16384xf32, #tpu.memory_space<hbm>>
        tpu.enqueue_dma source(%dma_start3A_245 : memref<16384xf32, #tpu.memory_space<hbm>>) target(%arg4 : memref<16384xf32, #tpu.memory_space<vmem>>) target_semaphore(%arg12 : memref<!tpu.dma_semaphore, #tpu.memory_space<semaphore_mem>>)
        %ge3A_246 = arith.constant 16 : i32
        %ge3A_247 = arith.cmpi sge, %add3A_226, %ge3A_246 : i32
        %jit3A_248 = arith.constant 1 : i32
        %jit3A_249 = arith.constant 0 : i32
        %select_n3A_250 = arith.select %ge3A_247, %jit3A_248, %jit3A_249 : i32
        %mul3A_251 = arith.constant 16 : i32
        %mul3A_252 = arith.muli %select_n3A_250, %mul3A_251 : i32
        %sub3A_253 = arith.subi %add3A_226, %mul3A_252 : i32
        %mul3A_254 = arith.constant 786432 : i32
        %mul3A_255 = arith.muli %select_n3A_250, %mul3A_254 : i32
        %add3A_256 = arith.addi %mul3A_4, %mul3A_255 : i32
        %add3A_257 = arith.constant 262144 : i32
        %add3A_258 = arith.addi %add3A_256, %add3A_257 : i32
        %mul3A_259 = arith.constant 16384 : i32
        %mul3A_260 = arith.muli %sub3A_253, %mul3A_259 : i32
        %add3A_261 = arith.addi %add3A_258, %mul3A_260 : i32
        %multiple_of3A_262 = tpu.assume_multiple %add3A_261, 16384 : i32
        %dma_start3A_263 = tpu.memref_slice %arg2[%multiple_of3A_262] : memref<50331648xf32, #tpu.memory_space<hbm>> -> memref<16384xf32, #tpu.memory_space<hbm>>
        %dma_start3A_264 = tpu.memref_slice %arg2[%multiple_of3A_262] : memref<50331648xf32, #tpu.memory_space<hbm>> -> memref<16384xf32, #tpu.memory_space<hbm>>
        tpu.enqueue_dma source(%dma_start3A_264 : memref<16384xf32, #tpu.memory_space<hbm>>) target(%arg5 : memref<16384xf32, #tpu.memory_space<vmem>>) target_semaphore(%arg12 : memref<!tpu.dma_semaphore, #tpu.memory_space<semaphore_mem>>)
        %ge3A_265 = arith.constant 16 : i32
        %ge3A_266 = arith.cmpi sge, %add3A_226, %ge3A_265 : i32
        %jit3A_267 = arith.constant 1 : i32
        %jit3A_268 = arith.constant 0 : i32
        %select_n3A_269 = arith.select %ge3A_266, %jit3A_267, %jit3A_268 : i32
        %mul3A_270 = arith.constant 16 : i32
        %mul3A_271 = arith.muli %select_n3A_269, %mul3A_270 : i32
        %sub3A_272 = arith.subi %add3A_226, %mul3A_271 : i32
        %mul3A_273 = arith.constant 786432 : i32
        %mul3A_274 = arith.muli %select_n3A_269, %mul3A_273 : i32
        %add3A_275 = arith.addi %mul3A_4, %mul3A_274 : i32
        %add3A_276 = arith.constant 524288 : i32
        %add3A_277 = arith.addi %add3A_275, %add3A_276 : i32
        %mul3A_278 = arith.constant 16384 : i32
        %mul3A_279 = arith.muli %sub3A_272, %mul3A_278 : i32
        %add3A_280 = arith.addi %add3A_277, %mul3A_279 : i32
        %multiple_of3A_281 = tpu.assume_multiple %add3A_280, 16384 : i32
        %dma_start3A_282 = tpu.memref_slice %arg2[%multiple_of3A_281] : memref<50331648xf32, #tpu.memory_space<hbm>> -> memref<16384xf32, #tpu.memory_space<hbm>>
        %dma_start3A_283 = tpu.memref_slice %arg2[%multiple_of3A_281] : memref<50331648xf32, #tpu.memory_space<hbm>> -> memref<16384xf32, #tpu.memory_space<hbm>>
        tpu.enqueue_dma source(%dma_start3A_283 : memref<16384xf32, #tpu.memory_space<hbm>>) target(%arg6 : memref<16384xf32, #tpu.memory_space<vmem>>) target_semaphore(%arg12 : memref<!tpu.dma_semaphore, #tpu.memory_space<semaphore_mem>>)
      } else {
      }
      %add3A_198 = arith.constant 1 : i32
      %add3A_199 = arith.addi %mul3A_114, %add3A_198 : i32
      %dma_wait3A_200 = arith.constant 0 : i32
      %dma_wait3A_201 = tpu.memref_slice %arg2[%dma_wait3A_200] : memref<50331648xf32, #tpu.memory_space<hbm>> -> memref<16384xf32, #tpu.memory_space<hbm>>
      %dma_wait3A_202 = arith.constant 0 : i32
      %dma_wait3A_203 = tpu.memref_slice %arg2[%dma_wait3A_202] : memref<50331648xf32, #tpu.memory_space<hbm>> -> memref<16384xf32, #tpu.memory_space<hbm>>
      tpu.wait_dma2 semaphore(%arg13 : memref<!tpu.dma_semaphore, #tpu.memory_space<semaphore_mem>>) src(%dma_wait3A_203 : memref<16384xf32, #tpu.memory_space<hbm>>) dst(%arg7 : memref<16384xf32, #tpu.memory_space<vmem>>)
      %dma_wait3A_204 = arith.constant 0 : i32
      %dma_wait3A_205 = tpu.memref_slice %arg2[%dma_wait3A_204] : memref<50331648xf32, #tpu.memory_space<hbm>> -> memref<16384xf32, #tpu.memory_space<hbm>>
      %dma_wait3A_206 = arith.constant 0 : i32
      %dma_wait3A_207 = tpu.memref_slice %arg2[%dma_wait3A_206] : memref<50331648xf32, #tpu.memory_space<hbm>> -> memref<16384xf32, #tpu.memory_space<hbm>>
      tpu.wait_dma2 semaphore(%arg13 : memref<!tpu.dma_semaphore, #tpu.memory_space<semaphore_mem>>) src(%dma_wait3A_207 : memref<16384xf32, #tpu.memory_space<hbm>>) dst(%arg8 : memref<16384xf32, #tpu.memory_space<vmem>>)
      %dma_wait3A_208 = arith.constant 0 : i32
      %dma_wait3A_209 = tpu.memref_slice %arg2[%dma_wait3A_208] : memref<50331648xf32, #tpu.memory_space<hbm>> -> memref<16384xf32, #tpu.memory_space<hbm>>
      %dma_wait3A_210 = arith.constant 0 : i32
      %dma_wait3A_211 = tpu.memref_slice %arg2[%dma_wait3A_210] : memref<50331648xf32, #tpu.memory_space<hbm>> -> memref<16384xf32, #tpu.memory_space<hbm>>
      tpu.wait_dma2 semaphore(%arg13 : memref<!tpu.dma_semaphore, #tpu.memory_space<semaphore_mem>>) src(%dma_wait3A_211 : memref<16384xf32, #tpu.memory_space<hbm>>) dst(%arg9 : memref<16384xf32, #tpu.memory_space<vmem>>)
      %sub3A_212 = arith.constant 1258291200 : i32
      %sub3A_213 = vector.broadcast %sub3A_212 : i32 to vector<16xi32>
      %sub3A_214 = arith.subi %mul3A_10, %sub3A_213 : vector<16xi32>
      %ge3A_215 = arith.constant 16 : i32
      %ge3A_216 = arith.cmpi sge, %add3A_199, %ge3A_215 : i32
      %jit3A_217 = arith.constant 4096 : i32
      %jit3A_218 = arith.constant 0 : i32
      %select_n3A_219 = arith.select %ge3A_216, %jit3A_217, %jit3A_218 : i32
      %add3A_220 = vector.broadcast %select_n3A_219 : i32 to vector<16xi32>
      %add3A_221 = arith.addi %sub3A_214, %add3A_220 : vector<16xi32>
      %parallel_loop3A_222 = arith.constant 0 : i32
      %parallel_loop3A_223 = arith.constant 16384 : i32
      %parallel_loop3A_224 = arith.constant 32 : i32
      scf.for %parallel_loop3A_225 = %parallel_loop3A_222 to %parallel_loop3A_223 step %parallel_loop3A_224  : i32 {
        %parallel_loop3A_226 = tpu.assume_multiple %parallel_loop3A_225, 32 : i32
        %parallel_loop3A_227 = arith.constant 16 : i32
        %parallel_loop3A_228 = arith.addi %parallel_loop3A_226, %parallel_loop3A_227 : i32
        %parallel_loop3A_229 = tpu.assume_multiple %parallel_loop3A_228, 16 : i32
        %parallel_loop3A_230 = arith.index_cast %parallel_loop3A_226 : i32 to index
        %parallel_loop3A_231 = tpu.vector_load %arg7[%parallel_loop3A_230] {strides = array<i32>} : memref<16384xf32, #tpu.memory_space<vmem>>, vector<16xf32>,
        %parallel_loop3A_232 = vector.bitcast %parallel_loop3A_231 : vector<16xf32> to vector<16xi32>
        %parallel_loop3A_233 = arith.constant 32768 : i32
        %parallel_loop3A_234 = vector.broadcast %parallel_loop3A_233 : i32 to vector<16xi32>
        %parallel_loop3A_235 = arith.addi %parallel_loop3A_232, %parallel_loop3A_234 : vector<16xi32>
        %parallel_loop3A_236 = arith.constant -65536 : i32
        %parallel_loop3A_237 = vector.broadcast %parallel_loop3A_236 : i32 to vector<16xi32>
        %parallel_loop3A_238 = arith.andi %parallel_loop3A_235, %parallel_loop3A_237 : vector<16xi32>
        %parallel_loop3A_239 = vector.bitcast %parallel_loop3A_238 : vector<16xi32> to vector<16xf32>
        %parallel_loop3A_240 = arith.index_cast %parallel_loop3A_229 : i32 to index
        %parallel_loop3A_241 = tpu.vector_load %arg7[%parallel_loop3A_240] {strides = array<i32>} : memref<16384xf32, #tpu.memory_space<vmem>>, vector<16xf32>,
        %parallel_loop3A_242 = vector.bitcast %parallel_loop3A_241 : vector<16xf32> to vector<16xi32>
        %parallel_loop3A_243 = arith.constant 32768 : i32
        %parallel_loop3A_244 = vector.broadcast %parallel_loop3A_243 : i32 to vector<16xi32>
        %parallel_loop3A_245 = arith.addi %parallel_loop3A_242, %parallel_loop3A_244 : vector<16xi32>
        %parallel_loop3A_246 = arith.constant -65536 : i32
        %parallel_loop3A_247 = vector.broadcast %parallel_loop3A_246 : i32 to vector<16xi32>
        %parallel_loop3A_248 = arith.andi %parallel_loop3A_245, %parallel_loop3A_247 : vector<16xi32>
        %parallel_loop3A_249 = vector.bitcast %parallel_loop3A_248 : vector<16xi32> to vector<16xf32>
        %parallel_loop3A_250 = arith.index_cast %parallel_loop3A_226 : i32 to index
        %parallel_loop3A_251 = tpu.vector_load %arg8[%parallel_loop3A_250] {strides = array<i32>} : memref<16384xf32, #tpu.memory_space<vmem>>, vector<16xf32>,
        %parallel_loop3A_252 = vector.bitcast %parallel_loop3A_251 : vector<16xf32> to vector<16xi32>
        %parallel_loop3A_253 = arith.constant 32768 : i32
        %parallel_loop3A_254 = vector.broadcast %parallel_loop3A_253 : i32 to vector<16xi32>
        %parallel_loop3A_255 = arith.addi %parallel_loop3A_252, %parallel_loop3A_254 : vector<16xi32>
        %parallel_loop3A_256 = arith.constant -65536 : i32
        %parallel_loop3A_257 = vector.broadcast %parallel_loop3A_256 : i32 to vector<16xi32>
        %parallel_loop3A_258 = arith.andi %parallel_loop3A_255, %parallel_loop3A_257 : vector<16xi32>
        %parallel_loop3A_259 = vector.bitcast %parallel_loop3A_258 : vector<16xi32> to vector<16xf32>
        %parallel_loop3A_260 = arith.index_cast %parallel_loop3A_229 : i32 to index
        %parallel_loop3A_261 = tpu.vector_load %arg8[%parallel_loop3A_260] {strides = array<i32>} : memref<16384xf32, #tpu.memory_space<vmem>>, vector<16xf32>,
        %parallel_loop3A_262 = vector.bitcast %parallel_loop3A_261 : vector<16xf32> to vector<16xi32>
        %parallel_loop3A_263 = arith.constant 32768 : i32
        %parallel_loop3A_264 = vector.broadcast %parallel_loop3A_263 : i32 to vector<16xi32>
        %parallel_loop3A_265 = arith.addi %parallel_loop3A_262, %parallel_loop3A_264 : vector<16xi32>
        %parallel_loop3A_266 = arith.constant -65536 : i32
        %parallel_loop3A_267 = vector.broadcast %parallel_loop3A_266 : i32 to vector<16xi32>
        %parallel_loop3A_268 = arith.andi %parallel_loop3A_265, %parallel_loop3A_267 : vector<16xi32>
        %parallel_loop3A_269 = vector.bitcast %parallel_loop3A_268 : vector<16xi32> to vector<16xf32>
        %parallel_loop3A_270 = arith.index_cast %parallel_loop3A_226 : i32 to index
        %parallel_loop3A_271 = tpu.vector_load %arg9[%parallel_loop3A_270] {strides = array<i32>} : memref<16384xf32, #tpu.memory_space<vmem>>, vector<16xf32>,
        %parallel_loop3A_272 = vector.bitcast %parallel_loop3A_271 : vector<16xf32> to vector<16xi32>
        %parallel_loop3A_273 = arith.constant 32768 : i32
        %parallel_loop3A_274 = vector.broadcast %parallel_loop3A_273 : i32 to vector<16xi32>
        %parallel_loop3A_275 = arith.addi %parallel_loop3A_272, %parallel_loop3A_274 : vector<16xi32>
        %parallel_loop3A_276 = arith.constant -65536 : i32
        %parallel_loop3A_277 = vector.broadcast %parallel_loop3A_276 : i32 to vector<16xi32>
        %parallel_loop3A_278 = arith.andi %parallel_loop3A_275, %parallel_loop3A_277 : vector<16xi32>
        %parallel_loop3A_279 = vector.bitcast %parallel_loop3A_278 : vector<16xi32> to vector<16xf32>
        %parallel_loop3A_280 = arith.index_cast %parallel_loop3A_229 : i32 to index
        %parallel_loop3A_281 = tpu.vector_load %arg9[%parallel_loop3A_280] {strides = array<i32>} : memref<16384xf32, #tpu.memory_space<vmem>>, vector<16xf32>,
        %parallel_loop3A_282 = vector.bitcast %parallel_loop3A_281 : vector<16xf32> to vector<16xi32>
        %parallel_loop3A_283 = arith.constant 32768 : i32
        %parallel_loop3A_284 = vector.broadcast %parallel_loop3A_283 : i32 to vector<16xi32>
        %parallel_loop3A_285 = arith.addi %parallel_loop3A_282, %parallel_loop3A_284 : vector<16xi32>
        %parallel_loop3A_286 = arith.constant -65536 : i32
        %parallel_loop3A_287 = vector.broadcast %parallel_loop3A_286 : i32 to vector<16xi32>
        %parallel_loop3A_288 = arith.andi %parallel_loop3A_285, %parallel_loop3A_287 : vector<16xi32>
        %parallel_loop3A_289 = vector.bitcast %parallel_loop3A_288 : vector<16xi32> to vector<16xf32>
        %parallel_loop3A_290 = arith.constant 7.650000e+01 : f32
        %parallel_loop3A_291 = vector.broadcast %parallel_loop3A_290 : f32 to vector<16xf32>
        %parallel_loop3A_292 = arith.mulf %parallel_loop3A_239, %parallel_loop3A_291 : vector<16xf32>
        %parallel_loop3A_293 = arith.constant 1.500000e+02 : f32
        %parallel_loop3A_294 = vector.broadcast %parallel_loop3A_293 : f32 to vector<16xf32>
        %parallel_loop3A_295 = arith.mulf %parallel_loop3A_259, %parallel_loop3A_294 : vector<16xf32>
        %parallel_loop3A_296 = arith.addf %parallel_loop3A_292, %parallel_loop3A_295 : vector<16xf32>
        %parallel_loop3A_297 = arith.constant 2.912500e+01 : f32
        %parallel_loop3A_298 = vector.broadcast %parallel_loop3A_297 : f32 to vector<16xf32>
        %parallel_loop3A_299 = arith.mulf %parallel_loop3A_279, %parallel_loop3A_298 : vector<16xf32>
        %parallel_loop3A_300 = arith.addf %parallel_loop3A_296, %parallel_loop3A_299 : vector<16xf32>
        %parallel_loop3A_301 = arith.constant 7.650000e+01 : f32
        %parallel_loop3A_302 = vector.broadcast %parallel_loop3A_301 : f32 to vector<16xf32>
        %parallel_loop3A_303 = arith.mulf %parallel_loop3A_249, %parallel_loop3A_302 : vector<16xf32>
        %parallel_loop3A_304 = arith.constant 1.500000e+02 : f32
        %parallel_loop3A_305 = vector.broadcast %parallel_loop3A_304 : f32 to vector<16xf32>
        %parallel_loop3A_306 = arith.mulf %parallel_loop3A_269, %parallel_loop3A_305 : vector<16xf32>
        %parallel_loop3A_307 = arith.addf %parallel_loop3A_303, %parallel_loop3A_306 : vector<16xf32>
        %parallel_loop3A_308 = arith.constant 2.912500e+01 : f32
        %parallel_loop3A_309 = vector.broadcast %parallel_loop3A_308 : f32 to vector<16xf32>
        %parallel_loop3A_310 = arith.mulf %parallel_loop3A_289, %parallel_loop3A_309 : vector<16xf32>
        %parallel_loop3A_311 = arith.addf %parallel_loop3A_307, %parallel_loop3A_310 : vector<16xf32>
        %parallel_loop3A_312 = arith.constant 8388607.5 : f32
        %parallel_loop3A_313 = vector.broadcast %parallel_loop3A_312 : f32 to vector<16xf32>
        %parallel_loop3A_314 = arith.addf %parallel_loop3A_300, %parallel_loop3A_313 : vector<16xf32>
        %parallel_loop3A_315 = vector.bitcast %parallel_loop3A_314 : vector<16xf32> to vector<16xi32>
        %parallel_loop3A_316 = arith.addi %parallel_loop3A_315, %add3A_221 : vector<16xi32>
        %parallel_loop3A_317 = arith.constant 8388607.5 : f32
        %parallel_loop3A_318 = vector.broadcast %parallel_loop3A_317 : f32 to vector<16xf32>
        %parallel_loop3A_319 = arith.addf %parallel_loop3A_311, %parallel_loop3A_318 : vector<16xf32>
        %parallel_loop3A_320 = vector.bitcast %parallel_loop3A_319 : vector<16xf32> to vector<16xi32>
        %parallel_loop3A_321 = arith.addi %parallel_loop3A_320, %add3A_221 : vector<16xi32>
        tpu.vector_store_idx %arg10[%parallel_loop3A_316], %broadcast_in_dim3A_7 {add = true} : memref<8192xf32, #tpu.memory_space<vmem>>[vector<16xi32>], vector<16xf32>,
        tpu.vector_store_idx %arg10[%parallel_loop3A_321], %broadcast_in_dim3A_7 {add = true} : memref<8192xf32, #tpu.memory_space<vmem>>[vector<16xi32>], vector<16xf32>,
      } {sc.loop_unroll_factor = 4 : i64, sc.parallel_access}
    }
    %scan3A_73 = arith.constant 16 : i32
    %scan3A_74 = arith.constant 0 : i32
    %scan3A_75 = arith.constant 0 : i32
    %scan3A_76 = arith.constant 16 : i32
    %scan3A_77 = arith.addi %scan3A_75, %scan3A_76 : i32
    %scan3A_78 = arith.constant 1 : i32
    scf.for %scan3A_112 = %scan3A_75 to %scan3A_77 step %scan3A_78  : i32 {
      %mul3A_113 = arith.constant 16 : i32
      %mul3A_114 = arith.muli %scan3A_112, %mul3A_113 : i32
      %multiple_of3A_115 = tpu.assume_multiple %mul3A_114, 16 : i32
      %add3A_116 = arith.constant 0 : i32
      %add3A_117 = arith.addi %add3A_116, %multiple_of3A_115 : i32
      %multiple_of3A_118 = tpu.assume_multiple %add3A_117, 16 : i32
      %get3A = arith.index_cast %multiple_of3A_118 : i32 to index
      %get3A_119 = tpu.vector_load %arg10[%get3A] {strides = array<i32>} : memref<8192xf32, #tpu.memory_space<vmem>>, vector<16xf32>,
      %add3A_120 = arith.addf %broadcast_in_dim3A_5, %get3A_119 : vector<16xf32>
      %add3A_121 = arith.constant 256 : i32
      %add3A_122 = arith.addi %add3A_121, %multiple_of3A_115 : i32
      %multiple_of3A_123 = tpu.assume_multiple %add3A_122, 16 : i32
      %get3A_124 = arith.index_cast %multiple_of3A_123 : i32 to index
      %get3A_125 = tpu.vector_load %arg10[%get3A_124] {strides = array<i32>} : memref<8192xf32, #tpu.memory_space<vmem>>, vector<16xf32>,
      %add3A_126 = arith.addf %add3A_120, %get3A_125 : vector<16xf32>
      %add3A_127 = arith.constant 512 : i32
      %add3A_128 = arith.addi %add3A_127, %multiple_of3A_115 : i32
      %multiple_of3A_129 = tpu.assume_multiple %add3A_128, 16 : i32
      %get3A_130 = arith.index_cast %multiple_of3A_129 : i32 to index
      %get3A_131 = tpu.vector_load %arg10[%get3A_130] {strides = array<i32>} : memref<8192xf32, #tpu.memory_space<vmem>>, vector<16xf32>,
      %add3A_132 = arith.addf %add3A_126, %get3A_131 : vector<16xf32>
      %add3A_133 = arith.constant 768 : i32
      %add3A_134 = arith.addi %add3A_133, %multiple_of3A_115 : i32
      %multiple_of3A_135 = tpu.assume_multiple %add3A_134, 16 : i32
      %get3A_136 = arith.index_cast %multiple_of3A_135 : i32 to index
      %get3A_137 = tpu.vector_load %arg10[%get3A_136] {strides = array<i32>} : memref<8192xf32, #tpu.memory_space<vmem>>, vector<16xf32>,
      %add3A_138 = arith.addf %add3A_132, %get3A_137 : vector<16xf32>
      %add3A_139 = arith.constant 1024 : i32
      %add3A_140 = arith.addi %add3A_139, %multiple_of3A_115 : i32
      %multiple_of3A_141 = tpu.assume_multiple %add3A_140, 16 : i32
      %get3A_142 = arith.index_cast %multiple_of3A_141 : i32 to index
      %get3A_143 = tpu.vector_load %arg10[%get3A_142] {strides = array<i32>} : memref<8192xf32, #tpu.memory_space<vmem>>, vector<16xf32>,
      %add3A_144 = arith.addf %add3A_138, %get3A_143 : vector<16xf32>
      %add3A_145 = arith.constant 1280 : i32
      %add3A_146 = arith.addi %add3A_145, %multiple_of3A_115 : i32
      %multiple_of3A_147 = tpu.assume_multiple %add3A_146, 16 : i32
      %get3A_148 = arith.index_cast %multiple_of3A_147 : i32 to index
      %get3A_149 = tpu.vector_load %arg10[%get3A_148] {strides = array<i32>} : memref<8192xf32, #tpu.memory_space<vmem>>, vector<16xf32>,
      %add3A_150 = arith.addf %add3A_144, %get3A_149 : vector<16xf32>
      %add3A_151 = arith.constant 1536 : i32
      %add3A_152 = arith.addi %add3A_151, %multiple_of3A_115 : i32
      %multiple_of3A_153 = tpu.assume_multiple %add3A_152, 16 : i32
      %get3A_154 = arith.index_cast %multiple_of3A_153 : i32 to index
      %get3A_155 = tpu.vector_load %arg10[%get3A_154] {strides = array<i32>} : memref<8192xf32, #tpu.memory_space<vmem>>, vector<16xf32>,
      %add3A_156 = arith.addf %add3A_150, %get3A_155 : vector<16xf32>
      %add3A_157 = arith.constant 1792 : i32
      %add3A_158 = arith.addi %add3A_157, %multiple_of3A_115 : i32
      %multiple_of3A_159 = tpu.assume_multiple %add3A_158, 16 : i32
      %get3A_160 = arith.index_cast %multiple_of3A_159 : i32 to index
      %get3A_161 = tpu.vector_load %arg10[%get3A_160] {strides = array<i32>} : memref<8192xf32, #tpu.memory_space<vmem>>, vector<16xf32>,
      %add3A_162 = arith.addf %add3A_156, %get3A_161 : vector<16xf32>
      %add3A_163 = arith.constant 2048 : i32
      %add3A_164 = arith.addi %add3A_163, %multiple_of3A_115 : i32
      %multiple_of3A_165 = tpu.assume_multiple %add3A_164, 16 : i32
      %get3A_166 = arith.index_cast %multiple_of3A_165 : i32 to index
      %get3A_167 = tpu.vector_load %arg10[%get3A_166] {strides = array<i32>} : memref<8192xf32, #tpu.memory_space<vmem>>, vector<16xf32>,
      %add3A_168 = arith.addf %add3A_162, %get3A_167 : vector<16xf32>
      %add3A_169 = arith.constant 2304 : i32
      %add3A_170 = arith.addi %add3A_169, %multiple_of3A_115 : i32
      %multiple_of3A_171 = tpu.assume_multiple %add3A_170, 16 : i32
      %get3A_172 = arith.index_cast %multiple_of3A_171 : i32 to index
      %get3A_173 = tpu.vector_load %arg10[%get3A_172] {strides = array<i32>} : memref<8192xf32, #tpu.memory_space<vmem>>, vector<16xf32>,
      %add3A_174 = arith.addf %add3A_168, %get3A_173 : vector<16xf32>
      %add3A_175 = arith.constant 2560 : i32
      %add3A_176 = arith.addi %add3A_175, %multiple_of3A_115 : i32
      %multiple_of3A_177 = tpu.assume_multiple %add3A_176, 16 : i32
      %get3A_178 = arith.index_cast %multiple_of3A_177 : i32 to index
      %get3A_179 = tpu.vector_load %arg10[%get3A_178] {strides = array<i32>} : memref<8192xf32, #tpu.memory_space<vmem>>, vector<16xf32>,
      %add3A_180 = arith.addf %add3A_174, %get3A_179 : vector<16xf32>
      %add3A_181 = arith.constant 2816 : i32
      %add3A_182 = arith.addi %add3A_181, %multiple_of3A_115 : i32
      %multiple_of3A_183 = tpu.assume_multiple %add3A_182, 16 : i32
      %get3A_184 = arith.index_cast %multiple_of3A_183 : i32 to index
      %get3A_185 = tpu.vector_load %arg10[%get3A_184] {strides = array<i32>} : memref<8192xf32, #tpu.memory_space<vmem>>, vector<16xf32>,
      %add3A_186 = arith.addf %add3A_180, %get3A_185 : vector<16xf32>
      %add3A_187 = arith.constant 3072 : i32
      %add3A_188 = arith.addi %add3A_187, %multiple_of3A_115 : i32
      %multiple_of3A_189 = tpu.assume_multiple %add3A_188, 16 : i32
      %get3A_190 = arith.index_cast %multiple_of3A_189 : i32 to index
      %get3A_191 = tpu.vector_load %arg10[%get3A_190] {strides = array<i32>} : memref<8192xf32, #tpu.memory_space<vmem>>, vector<16xf32>,
      %add3A_192 = arith.addf %add3A_186, %get3A_191 : vector<16xf32>
      %add3A_193 = arith.constant 3328 : i32
      %add3A_194 = arith.addi %add3A_193, %multiple_of3A_115 : i32
      %multiple_of3A_195 = tpu.assume_multiple %add3A_194, 16 : i32
      %get3A_196 = arith.index_cast %multiple_of3A_195 : i32 to index
      %get3A_197 = tpu.vector_load %arg10[%get3A_196] {strides = array<i32>} : memref<8192xf32, #tpu.memory_space<vmem>>, vector<16xf32>,
      %add3A_198 = arith.addf %add3A_192, %get3A_197 : vector<16xf32>
      %add3A_199 = arith.constant 3584 : i32
      %add3A_200 = arith.addi %add3A_199, %multiple_of3A_115 : i32
      %multiple_of3A_201 = tpu.assume_multiple %add3A_200, 16 : i32
      %get3A_202 = arith.index_cast %multiple_of3A_201 : i32 to index
      %get3A_203 = tpu.vector_load %arg10[%get3A_202] {strides = array<i32>} : memref<8192xf32, #tpu.memory_space<vmem>>, vector<16xf32>,
      %add3A_204 = arith.addf %add3A_198, %get3A_203 : vector<16xf32>
      %add3A_205 = arith.constant 3840 : i32
      %add3A_206 = arith.addi %add3A_205, %multiple_of3A_115 : i32
      %multiple_of3A_207 = tpu.assume_multiple %add3A_206, 16 : i32
      %get3A_208 = arith.index_cast %multiple_of3A_207 : i32 to index
      %get3A_209 = tpu.vector_load %arg10[%get3A_208] {strides = array<i32>} : memref<8192xf32, #tpu.memory_space<vmem>>, vector<16xf32>,
      %add3A_210 = arith.addf %add3A_204, %get3A_209 : vector<16xf32>
      %mul3A_211 = arith.constant 3.81469727E-6 : f32
      %mul3A_212 = vector.broadcast %mul3A_211 : f32 to vector<16xf32>
      %mul3A_213 = arith.mulf %add3A_210, %mul3A_212 : vector<16xf32>
      %swap3A = arith.index_cast %multiple_of3A_115 : i32 to index
      %swap3A_214 = tpu.vector_load %arg11[%swap3A] {strides = array<i32>} : memref<256xf32, #tpu.memory_space<vmem>>, vector<16xf32>,
      tpu.vector_store %arg11[%swap3A], %mul3A_213 {strides = array<i32>} : memref<256xf32, #tpu.memory_space<vmem>>, vector<16xf32>,
    }
    %scan3A_79 = arith.constant 16 : i32
    %add3A_80 = arith.constant 0 : i32
    %add3A_81 = arith.addi %mul3A_2, %add3A_80 : i32
    %shift_right_arithmetic3A = arith.constant 3 : i32
    %shift_right_arithmetic3A_82 = arith.shrsi %add3A_81, %shift_right_arithmetic3A : i32
    %mul3A_83 = arith.constant 2048 : i32
    %mul3A_84 = arith.muli %shift_right_arithmetic3A_82, %mul3A_83 : i32
    %and3A = arith.constant 7 : i32
    %and3A_85 = arith.andi %add3A_81, %and3A : i32
    %mul3A_86 = arith.constant 128 : i32
    %mul3A_87 = arith.muli %and3A_85, %mul3A_86 : i32
    %add3A_88 = arith.addi %mul3A_84, %mul3A_87 : i32
    %multiple_of3A_89 = tpu.assume_multiple %add3A_88, 128 : i32
    "tpu.region"() ({
      %run_scoped3A = tpu.sem_alloc : memref<!tpu.dma_semaphore, #tpu.memory_space<semaphore_mem>>
      %dma_start3A_112 = arith.constant 0 : i32
      %dma_start3A_113 = tpu.memref_slice %arg11[%dma_start3A_112] : memref<256xf32, #tpu.memory_space<vmem>> -> memref<128xf32, #tpu.memory_space<vmem>>
      %dma_start3A_114 = tpu.memref_slice %arg3[%multiple_of3A_89] : memref<16384xf32, #tpu.memory_space<hbm>> -> memref<128xf32, #tpu.memory_space<hbm>>
      %dma_start3A_115 = tpu.memref_slice %arg3[%multiple_of3A_89] : memref<16384xf32, #tpu.memory_space<hbm>> -> memref<128xf32, #tpu.memory_space<hbm>>
      %dma_start3A_116 = arith.constant 0 : i32
      %dma_start3A_117 = tpu.memref_slice %arg11[%dma_start3A_116] : memref<256xf32, #tpu.memory_space<vmem>> -> memref<128xf32, #tpu.memory_space<vmem>>
      tpu.enqueue_dma source(%dma_start3A_117 : memref<128xf32, #tpu.memory_space<vmem>>) target(%dma_start3A_115 : memref<128xf32, #tpu.memory_space<hbm>>) target_semaphore(%run_scoped3A : memref<!tpu.dma_semaphore, #tpu.memory_space<semaphore_mem>>)
      %dma_wait3A = arith.constant 0 : i32
      %dma_wait3A_118 = tpu.memref_slice %arg11[%dma_wait3A] : memref<256xf32, #tpu.memory_space<vmem>> -> memref<128xf32, #tpu.memory_space<vmem>>
      %dma_wait3A_119 = tpu.memref_slice %arg3[%multiple_of3A_89] : memref<16384xf32, #tpu.memory_space<hbm>> -> memref<128xf32, #tpu.memory_space<hbm>>
      %dma_wait3A_120 = tpu.memref_slice %arg3[%multiple_of3A_89] : memref<16384xf32, #tpu.memory_space<hbm>> -> memref<128xf32, #tpu.memory_space<hbm>>
      %dma_wait3A_121 = arith.constant 0 : i32
      %dma_wait3A_122 = tpu.memref_slice %arg11[%dma_wait3A_121] : memref<256xf32, #tpu.memory_space<vmem>> -> memref<128xf32, #tpu.memory_space<vmem>>
      tpu.wait_dma2 semaphore(%run_scoped3A : memref<!tpu.dma_semaphore, #tpu.memory_space<semaphore_mem>>) src(%dma_wait3A_122 : memref<128xf32, #tpu.memory_space<vmem>>) dst(%dma_wait3A_120 : memref<128xf32, #tpu.memory_space<hbm>>)
      tpu.yield
    }) : () -> ()
    %add3A_90 = arith.constant 1024 : i32
    %add3A_91 = arith.addi %multiple_of3A_89, %add3A_90 : i32
    "tpu.region"() ({
      %run_scoped3A = tpu.sem_alloc : memref<!tpu.dma_semaphore, #tpu.memory_space<semaphore_mem>>
      %dma_start3A_112 = arith.constant 128 : i32
      %dma_start3A_113 = tpu.memref_slice %arg11[%dma_start3A_112] : memref<256xf32, #tpu.memory_space<vmem>> -> memref<128xf32, #tpu.memory_space<vmem>>
      %dma_start3A_114 = tpu.memref_slice %arg3[%add3A_91] : memref<16384xf32, #tpu.memory_space<hbm>> -> memref<128xf32, #tpu.memory_space<hbm>>
      %dma_start3A_115 = tpu.memref_slice %arg3[%add3A_91] : memref<16384xf32, #tpu.memory_space<hbm>> -> memref<128xf32, #tpu.memory_space<hbm>>
      %dma_start3A_116 = arith.constant 128 : i32
      %dma_start3A_117 = tpu.memref_slice %arg11[%dma_start3A_116] : memref<256xf32, #tpu.memory_space<vmem>> -> memref<128xf32, #tpu.memory_space<vmem>>
      tpu.enqueue_dma source(%dma_start3A_117 : memref<128xf32, #tpu.memory_space<vmem>>) target(%dma_start3A_115 : memref<128xf32, #tpu.memory_space<hbm>>) target_semaphore(%run_scoped3A : memref<!tpu.dma_semaphore, #tpu.memory_space<semaphore_mem>>)
      %dma_wait3A = arith.constant 128 : i32
      %dma_wait3A_118 = tpu.memref_slice %arg11[%dma_wait3A] : memref<256xf32, #tpu.memory_space<vmem>> -> memref<128xf32, #tpu.memory_space<vmem>>
      %dma_wait3A_119 = tpu.memref_slice %arg3[%add3A_91] : memref<16384xf32, #tpu.memory_space<hbm>> -> memref<128xf32, #tpu.memory_space<hbm>>
      %dma_wait3A_120 = tpu.memref_slice %arg3[%add3A_91] : memref<16384xf32, #tpu.memory_space<hbm>> -> memref<128xf32, #tpu.memory_space<hbm>>
      %dma_wait3A_121 = arith.constant 128 : i32
      %dma_wait3A_122 = tpu.memref_slice %arg11[%dma_wait3A_121] : memref<256xf32, #tpu.memory_space<vmem>> -> memref<128xf32, #tpu.memory_space<vmem>>
      tpu.wait_dma2 semaphore(%run_scoped3A : memref<!tpu.dma_semaphore, #tpu.memory_space<semaphore_mem>>) src(%dma_wait3A_122 : memref<128xf32, #tpu.memory_space<vmem>>) dst(%dma_wait3A_120 : memref<128xf32, #tpu.memory_space<hbm>>)
      tpu.yield
    }) : () -> ()
    %scan3A_92 = arith.constant 0 : i32
    %scan3A_93 = arith.constant 0 : i32
    %scan3A_94 = arith.constant 16 : i32
    %scan3A_95 = arith.addi %scan3A_93, %scan3A_94 : i32
    %scan3A_96 = arith.constant 1 : i32
    scf.for %scan3A_112 = %scan3A_93 to %scan3A_95 step %scan3A_96  : i32 {
      %mul3A_113 = arith.constant 16 : i32
      %mul3A_114 = arith.muli %scan3A_112, %mul3A_113 : i32
      %multiple_of3A_115 = tpu.assume_multiple %mul3A_114, 16 : i32
      %add3A_116 = arith.constant 4096 : i32
      %add3A_117 = arith.addi %add3A_116, %multiple_of3A_115 : i32
      %multiple_of3A_118 = tpu.assume_multiple %add3A_117, 16 : i32
      %get3A = arith.index_cast %multiple_of3A_118 : i32 to index
      %get3A_119 = tpu.vector_load %arg10[%get3A] {strides = array<i32>} : memref<8192xf32, #tpu.memory_space<vmem>>, vector<16xf32>,
      %add3A_120 = arith.addf %broadcast_in_dim3A_5, %get3A_119 : vector<16xf32>
      %add3A_121 = arith.constant 4352 : i32
      %add3A_122 = arith.addi %add3A_121, %multiple_of3A_115 : i32
      %multiple_of3A_123 = tpu.assume_multiple %add3A_122, 16 : i32
      %get3A_124 = arith.index_cast %multiple_of3A_123 : i32 to index
      %get3A_125 = tpu.vector_load %arg10[%get3A_124] {strides = array<i32>} : memref<8192xf32, #tpu.memory_space<vmem>>, vector<16xf32>,
      %add3A_126 = arith.addf %add3A_120, %get3A_125 : vector<16xf32>
      %add3A_127 = arith.constant 4608 : i32
      %add3A_128 = arith.addi %add3A_127, %multiple_of3A_115 : i32
      %multiple_of3A_129 = tpu.assume_multiple %add3A_128, 16 : i32
      %get3A_130 = arith.index_cast %multiple_of3A_129 : i32 to index
      %get3A_131 = tpu.vector_load %arg10[%get3A_130] {strides = array<i32>} : memref<8192xf32, #tpu.memory_space<vmem>>, vector<16xf32>,
      %add3A_132 = arith.addf %add3A_126, %get3A_131 : vector<16xf32>
      %add3A_133 = arith.constant 4864 : i32
      %add3A_134 = arith.addi %add3A_133, %multiple_of3A_115 : i32
      %multiple_of3A_135 = tpu.assume_multiple %add3A_134, 16 : i32
      %get3A_136 = arith.index_cast %multiple_of3A_135 : i32 to index
      %get3A_137 = tpu.vector_load %arg10[%get3A_136] {strides = array<i32>} : memref<8192xf32, #tpu.memory_space<vmem>>, vector<16xf32>,
      %add3A_138 = arith.addf %add3A_132, %get3A_137 : vector<16xf32>
      %add3A_139 = arith.constant 5120 : i32
      %add3A_140 = arith.addi %add3A_139, %multiple_of3A_115 : i32
      %multiple_of3A_141 = tpu.assume_multiple %add3A_140, 16 : i32
      %get3A_142 = arith.index_cast %multiple_of3A_141 : i32 to index
      %get3A_143 = tpu.vector_load %arg10[%get3A_142] {strides = array<i32>} : memref<8192xf32, #tpu.memory_space<vmem>>, vector<16xf32>,
      %add3A_144 = arith.addf %add3A_138, %get3A_143 : vector<16xf32>
      %add3A_145 = arith.constant 5376 : i32
      %add3A_146 = arith.addi %add3A_145, %multiple_of3A_115 : i32
      %multiple_of3A_147 = tpu.assume_multiple %add3A_146, 16 : i32
      %get3A_148 = arith.index_cast %multiple_of3A_147 : i32 to index
      %get3A_149 = tpu.vector_load %arg10[%get3A_148] {strides = array<i32>} : memref<8192xf32, #tpu.memory_space<vmem>>, vector<16xf32>,
      %add3A_150 = arith.addf %add3A_144, %get3A_149 : vector<16xf32>
      %add3A_151 = arith.constant 5632 : i32
      %add3A_152 = arith.addi %add3A_151, %multiple_of3A_115 : i32
      %multiple_of3A_153 = tpu.assume_multiple %add3A_152, 16 : i32
      %get3A_154 = arith.index_cast %multiple_of3A_153 : i32 to index
      %get3A_155 = tpu.vector_load %arg10[%get3A_154] {strides = array<i32>} : memref<8192xf32, #tpu.memory_space<vmem>>, vector<16xf32>,
      %add3A_156 = arith.addf %add3A_150, %get3A_155 : vector<16xf32>
      %add3A_157 = arith.constant 5888 : i32
      %add3A_158 = arith.addi %add3A_157, %multiple_of3A_115 : i32
      %multiple_of3A_159 = tpu.assume_multiple %add3A_158, 16 : i32
      %get3A_160 = arith.index_cast %multiple_of3A_159 : i32 to index
      %get3A_161 = tpu.vector_load %arg10[%get3A_160] {strides = array<i32>} : memref<8192xf32, #tpu.memory_space<vmem>>, vector<16xf32>,
      %add3A_162 = arith.addf %add3A_156, %get3A_161 : vector<16xf32>
      %add3A_163 = arith.constant 6144 : i32
      %add3A_164 = arith.addi %add3A_163, %multiple_of3A_115 : i32
      %multiple_of3A_165 = tpu.assume_multiple %add3A_164, 16 : i32
      %get3A_166 = arith.index_cast %multiple_of3A_165 : i32 to index
      %get3A_167 = tpu.vector_load %arg10[%get3A_166] {strides = array<i32>} : memref<8192xf32, #tpu.memory_space<vmem>>, vector<16xf32>,
      %add3A_168 = arith.addf %add3A_162, %get3A_167 : vector<16xf32>
      %add3A_169 = arith.constant 6400 : i32
      %add3A_170 = arith.addi %add3A_169, %multiple_of3A_115 : i32
      %multiple_of3A_171 = tpu.assume_multiple %add3A_170, 16 : i32
      %get3A_172 = arith.index_cast %multiple_of3A_171 : i32 to index
      %get3A_173 = tpu.vector_load %arg10[%get3A_172] {strides = array<i32>} : memref<8192xf32, #tpu.memory_space<vmem>>, vector<16xf32>,
      %add3A_174 = arith.addf %add3A_168, %get3A_173 : vector<16xf32>
      %add3A_175 = arith.constant 6656 : i32
      %add3A_176 = arith.addi %add3A_175, %multiple_of3A_115 : i32
      %multiple_of3A_177 = tpu.assume_multiple %add3A_176, 16 : i32
      %get3A_178 = arith.index_cast %multiple_of3A_177 : i32 to index
      %get3A_179 = tpu.vector_load %arg10[%get3A_178] {strides = array<i32>} : memref<8192xf32, #tpu.memory_space<vmem>>, vector<16xf32>,
      %add3A_180 = arith.addf %add3A_174, %get3A_179 : vector<16xf32>
      %add3A_181 = arith.constant 6912 : i32
      %add3A_182 = arith.addi %add3A_181, %multiple_of3A_115 : i32
      %multiple_of3A_183 = tpu.assume_multiple %add3A_182, 16 : i32
      %get3A_184 = arith.index_cast %multiple_of3A_183 : i32 to index
      %get3A_185 = tpu.vector_load %arg10[%get3A_184] {strides = array<i32>} : memref<8192xf32, #tpu.memory_space<vmem>>, vector<16xf32>,
      %add3A_186 = arith.addf %add3A_180, %get3A_185 : vector<16xf32>
      %add3A_187 = arith.constant 7168 : i32
      %add3A_188 = arith.addi %add3A_187, %multiple_of3A_115 : i32
      %multiple_of3A_189 = tpu.assume_multiple %add3A_188, 16 : i32
      %get3A_190 = arith.index_cast %multiple_of3A_189 : i32 to index
      %get3A_191 = tpu.vector_load %arg10[%get3A_190] {strides = array<i32>} : memref<8192xf32, #tpu.memory_space<vmem>>, vector<16xf32>,
      %add3A_192 = arith.addf %add3A_186, %get3A_191 : vector<16xf32>
      %add3A_193 = arith.constant 7424 : i32
      %add3A_194 = arith.addi %add3A_193, %multiple_of3A_115 : i32
      %multiple_of3A_195 = tpu.assume_multiple %add3A_194, 16 : i32
      %get3A_196 = arith.index_cast %multiple_of3A_195 : i32 to index
      %get3A_197 = tpu.vector_load %arg10[%get3A_196] {strides = array<i32>} : memref<8192xf32, #tpu.memory_space<vmem>>, vector<16xf32>,
      %add3A_198 = arith.addf %add3A_192, %get3A_197 : vector<16xf32>
      %add3A_199 = arith.constant 7680 : i32
      %add3A_200 = arith.addi %add3A_199, %multiple_of3A_115 : i32
      %multiple_of3A_201 = tpu.assume_multiple %add3A_200, 16 : i32
      %get3A_202 = arith.index_cast %multiple_of3A_201 : i32 to index
      %get3A_203 = tpu.vector_load %arg10[%get3A_202] {strides = array<i32>} : memref<8192xf32, #tpu.memory_space<vmem>>, vector<16xf32>,
      %add3A_204 = arith.addf %add3A_198, %get3A_203 : vector<16xf32>
      %add3A_205 = arith.constant 7936 : i32
      %add3A_206 = arith.addi %add3A_205, %multiple_of3A_115 : i32
      %multiple_of3A_207 = tpu.assume_multiple %add3A_206, 16 : i32
      %get3A_208 = arith.index_cast %multiple_of3A_207 : i32 to index
      %get3A_209 = tpu.vector_load %arg10[%get3A_208] {strides = array<i32>} : memref<8192xf32, #tpu.memory_space<vmem>>, vector<16xf32>,
      %add3A_210 = arith.addf %add3A_204, %get3A_209 : vector<16xf32>
      %mul3A_211 = arith.constant 3.81469727E-6 : f32
      %mul3A_212 = vector.broadcast %mul3A_211 : f32 to vector<16xf32>
      %mul3A_213 = arith.mulf %add3A_210, %mul3A_212 : vector<16xf32>
      %swap3A = arith.index_cast %multiple_of3A_115 : i32 to index
      %swap3A_214 = tpu.vector_load %arg11[%swap3A] {strides = array<i32>} : memref<256xf32, #tpu.memory_space<vmem>>, vector<16xf32>,
      tpu.vector_store %arg11[%swap3A], %mul3A_213 {strides = array<i32>} : memref<256xf32, #tpu.memory_space<vmem>>, vector<16xf32>,
    }
    %scan3A_97 = arith.constant 16 : i32
    %add3A_98 = arith.constant 1 : i32
    %add3A_99 = arith.addi %mul3A_2, %add3A_98 : i32
    %shift_right_arithmetic3A_100 = arith.constant 3 : i32
    %shift_right_arithmetic3A_101 = arith.shrsi %add3A_99, %shift_right_arithmetic3A_100 : i32
    %mul3A_102 = arith.constant 2048 : i32
    %mul3A_103 = arith.muli %shift_right_arithmetic3A_101, %mul3A_102 : i32
    %and3A_104 = arith.constant 7 : i32
    %and3A_105 = arith.andi %add3A_99, %and3A_104 : i32
    %mul3A_106 = arith.constant 128 : i32
    %mul3A_107 = arith.muli %and3A_105, %mul3A_106 : i32
    %add3A_108 = arith.addi %mul3A_103, %mul3A_107 : i32
    %multiple_of3A_109 = tpu.assume_multiple %add3A_108, 128 : i32
    "tpu.region"() ({
      %run_scoped3A = tpu.sem_alloc : memref<!tpu.dma_semaphore, #tpu.memory_space<semaphore_mem>>
      %dma_start3A_112 = arith.constant 0 : i32
      %dma_start3A_113 = tpu.memref_slice %arg11[%dma_start3A_112] : memref<256xf32, #tpu.memory_space<vmem>> -> memref<128xf32, #tpu.memory_space<vmem>>
      %dma_start3A_114 = tpu.memref_slice %arg3[%multiple_of3A_109] : memref<16384xf32, #tpu.memory_space<hbm>> -> memref<128xf32, #tpu.memory_space<hbm>>
      %dma_start3A_115 = tpu.memref_slice %arg3[%multiple_of3A_109] : memref<16384xf32, #tpu.memory_space<hbm>> -> memref<128xf32, #tpu.memory_space<hbm>>
      %dma_start3A_116 = arith.constant 0 : i32
      %dma_start3A_117 = tpu.memref_slice %arg11[%dma_start3A_116] : memref<256xf32, #tpu.memory_space<vmem>> -> memref<128xf32, #tpu.memory_space<vmem>>
      tpu.enqueue_dma source(%dma_start3A_117 : memref<128xf32, #tpu.memory_space<vmem>>) target(%dma_start3A_115 : memref<128xf32, #tpu.memory_space<hbm>>) target_semaphore(%run_scoped3A : memref<!tpu.dma_semaphore, #tpu.memory_space<semaphore_mem>>)
      %dma_wait3A = arith.constant 0 : i32
      %dma_wait3A_118 = tpu.memref_slice %arg11[%dma_wait3A] : memref<256xf32, #tpu.memory_space<vmem>> -> memref<128xf32, #tpu.memory_space<vmem>>
      %dma_wait3A_119 = tpu.memref_slice %arg3[%multiple_of3A_109] : memref<16384xf32, #tpu.memory_space<hbm>> -> memref<128xf32, #tpu.memory_space<hbm>>
      %dma_wait3A_120 = tpu.memref_slice %arg3[%multiple_of3A_109] : memref<16384xf32, #tpu.memory_space<hbm>> -> memref<128xf32, #tpu.memory_space<hbm>>
      %dma_wait3A_121 = arith.constant 0 : i32
      %dma_wait3A_122 = tpu.memref_slice %arg11[%dma_wait3A_121] : memref<256xf32, #tpu.memory_space<vmem>> -> memref<128xf32, #tpu.memory_space<vmem>>
      tpu.wait_dma2 semaphore(%run_scoped3A : memref<!tpu.dma_semaphore, #tpu.memory_space<semaphore_mem>>) src(%dma_wait3A_122 : memref<128xf32, #tpu.memory_space<vmem>>) dst(%dma_wait3A_120 : memref<128xf32, #tpu.memory_space<hbm>>)
      tpu.yield
    }) : () -> ()
    %add3A_110 = arith.constant 1024 : i32
    %add3A_111 = arith.addi %multiple_of3A_109, %add3A_110 : i32
    "tpu.region"() ({
      %run_scoped3A = tpu.sem_alloc : memref<!tpu.dma_semaphore, #tpu.memory_space<semaphore_mem>>
      %dma_start3A_112 = arith.constant 128 : i32
      %dma_start3A_113 = tpu.memref_slice %arg11[%dma_start3A_112] : memref<256xf32, #tpu.memory_space<vmem>> -> memref<128xf32, #tpu.memory_space<vmem>>
      %dma_start3A_114 = tpu.memref_slice %arg3[%add3A_111] : memref<16384xf32, #tpu.memory_space<hbm>> -> memref<128xf32, #tpu.memory_space<hbm>>
      %dma_start3A_115 = tpu.memref_slice %arg3[%add3A_111] : memref<16384xf32, #tpu.memory_space<hbm>> -> memref<128xf32, #tpu.memory_space<hbm>>
      %dma_start3A_116 = arith.constant 128 : i32
      %dma_start3A_117 = tpu.memref_slice %arg11[%dma_start3A_116] : memref<256xf32, #tpu.memory_space<vmem>> -> memref<128xf32, #tpu.memory_space<vmem>>
      tpu.enqueue_dma source(%dma_start3A_117 : memref<128xf32, #tpu.memory_space<vmem>>) target(%dma_start3A_115 : memref<128xf32, #tpu.memory_space<hbm>>) target_semaphore(%run_scoped3A : memref<!tpu.dma_semaphore, #tpu.memory_space<semaphore_mem>>)
      %dma_wait3A = arith.constant 128 : i32
      %dma_wait3A_118 = tpu.memref_slice %arg11[%dma_wait3A] : memref<256xf32, #tpu.memory_space<vmem>> -> memref<128xf32, #tpu.memory_space<vmem>>
      %dma_wait3A_119 = tpu.memref_slice %arg3[%add3A_111] : memref<16384xf32, #tpu.memory_space<hbm>> -> memref<128xf32, #tpu.memory_space<hbm>>
      %dma_wait3A_120 = tpu.memref_slice %arg3[%add3A_111] : memref<16384xf32, #tpu.memory_space<hbm>> -> memref<128xf32, #tpu.memory_space<hbm>>
      %dma_wait3A_121 = arith.constant 128 : i32
      %dma_wait3A_122 = tpu.memref_slice %arg11[%dma_wait3A_121] : memref<256xf32, #tpu.memory_space<vmem>> -> memref<128xf32, #tpu.memory_space<vmem>>
      tpu.wait_dma2 semaphore(%run_scoped3A : memref<!tpu.dma_semaphore, #tpu.memory_space<semaphore_mem>>) src(%dma_wait3A_122 : memref<128xf32, #tpu.memory_space<vmem>>) dst(%dma_wait3A_120 : memref<128xf32, #tpu.memory_space<hbm>>)
      tpu.yield
    }) : () -> ()
    return
  }
}

</mosaic_0001>

<sc_bundles>
// kernel: kernel.3.cloned.1.call-start
scs
__scs_entry_jumppad:
0x0: {  	(pc) =	sbr.rel $0x88, $3  }
0x1: {  	(tag) =	ssettag $0x0;
	lr =	simm.s32 $0x1  }
0x2: {  	[smem:$0x3FA0] =	sst lr;
	_ =	strace $0xD0000000  }
0x3: {  	_ = 	snop  }
0x4: {  	_ = 	snop  }
0x5: {  	_ = 	snop  }
0x6: {  	_ = 	snop  }
0x7: {  	_ = 	snop  }
__scs_overlays_trampoline_lowered:
0x8: {  	[smem:$0x3FAF] =	sst s0  }
0x9: {  	[smem:$0x3FB0] =	sst s1  }
0xa: {  	[smem:$0x3FB1] =	sst s2  }
0xb: {  	[smem:$0x3FB2] =	sst s3  }
0xc: {  	[smem:$0x3FB3] =	sst s4  }
0xd: {  	[smem:$0x3FB4] =	sst s5  }
0xe: {  	[smem:$0x3FB5] =	sst s6  }
0xf: {  	[smem:$0x3FB6] =	sst s7  }
0x10: {  	[smem:$0x3FB7] =	sst s8  }
0x11: {  	[smem:$0x3FB8] =	sst s9;
	s0 =	simm.s32 @!p0 $0x0  }
0x12: {  	s1 =	sld [smem:$0x3F9E];
	s0 =	simm.s32 @p0 $0x1  }
0x13: {  	[smem:$0x3FB9] =	sst s0;
	s0 =	simm.s32 @!p1 $0x0  }
0x14: {  	s2 =	sld [smem:$0x3F9D];
	s0 =	simm.s32 @p1 $0x1  }
0x15: {  	[smem:$0x3FBA] =	sst s0;
	s0 =	simm.s32 @!p2 $0x0  }
0x16: {  	s3 =	sld [smem:$0x3FDB];
	s0 =	simm.s32 @p2 $0x1  }
0x17: {  	s4 =	simm.s32 $0x1BF5;
	[smem:$0x3FBC] =	sst s0  }
0x18: {  	s0 =	sld [smem:$0x3F9F];
	_ =	swait.ge [sflag:s4], $0x0  }
0x19: {  	s7 =	sld [smem:$0x3FA0]  }
0x1a: {  	s8 =	sadd.s32 $0xFFFFE003, lr  }
0x1b: {  	s9 =	sadd.s32 $0xFFFFFEF7, lr;
	s5 =	simm.s32 $0xFFFFFFFF;
	p2 =	slt.u32 s8, $0xFFFFF086  }
0x1c: {  	p1 =	slt.u32 s9, $0xF7A;
	s5 =	simm.s32 @!p2 $0x0  }
0x1d: {  	s5 =	simm.s32 @p1 $0x1;
	p0 =	seq.s32 s7, s2  }
0x1e: {  	s7 =	smul.u32 @!p0 $0xF7A, s2;
	p2 =	seq.s32 @!p0 s5, $0x0  }
0x1f: {  	s9 =	smul.u32 $0xF7A, s1;
	s8 =	simm.s32 @!p0 $0x1BF5;
	p2 =	por !p2, p0  }
0x20: {  	[sflag:s8] =	ssyncset.s32 @!p0 $0xFFFFF086;
	s6 =	sadd.s32 @!p0 s3, s7;
	s7 =	simm.s32 @!p0 $0x108  }
0x21: {  	s3 =	sadd.s32 s3, s9;
	s6 =	sadd.s32 @!p0 $0x88, s6;
	s7 =	simm.s32 @p2 $0x1082  }
0x22: {  	[simem:s7], [sflag:s8] =	dma.local @!p0 [hbm:s6], $0xF7A  }
0x23: {  	s9 =	sor.u32 $0xD0000000, s2;
	s6 =	simm.s32 $0x108;
	_ =	swait.ge @!p0 [sflag:s8], $0x0  }
0x24: {  	s3 =	sadd.s32 $0x88, s3;
	s6 =	simm.s32 @!p1 $0x1082;
	[sflag:s4] =	ssyncset.s32 $0xFFFFF086  }
0x25: {  	[simem:s6], [sflag:s4] =	dma.local [hbm:s3], $0xF7A  }
0x26: {  	[smem:$0x3FA0] =	sst s1;
	(tag) =	ssettag s2;
	_ =	strace s9  }
0x27: {  	s1 =	sld [smem:$0x3FB0]  }
0x28: {  	s2 =	sld [smem:$0x3FB1]  }
0x29: {  	s4 =	sld [smem:$0x3FB3]  }
0x2a: {  	p0 =	seq.s32 s5, $0x0;
	s5 =	sld [smem:$0x3FB4]  }
0x2b: {  	s6 =	sld [smem:$0x3FB5]  }
0x2c: {  	s7 =	sld [smem:$0x3FB6]  }
0x2d: {  	s3 =	simm.s32 $0x108;
	s8 =	sld [smem:$0x3FB7]  }
0x2e: {  	s3 =	simm.s32 @!p0 $0x1082;
	s9 =	sld [smem:$0x3FB8]  }
0x2f: {  	lr =	sadd.s32 s0, s3;
	s0 =	sld [smem:$0x3FAF]  }
0x30: {  	s3 =	sld [smem:$0x3FB2]  }
0x31: {  	[smem:$0x3FBB] =	sst s10  }
0x32: {  	s10 =	sld [smem:$0x3FB9];
	_ =	sdelay $0x3  }
0x33: {  	p0 =	seq.s32 s10, $0x1;
	s10 =	sld [smem:$0x3FBB];
	_ =	sdelay $0x3  }
0x34: {  	[smem:$0x3FBB] =	sst s10  }
0x35: {  	s10 =	sld [smem:$0x3FBA];
	_ =	sdelay $0x3  }
0x36: {  	p1 =	seq.s32 s10, $0x1;
	s10 =	sld [smem:$0x3FBB];
	_ =	sdelay $0x3  }
0x37: {  	[smem:$0x3FBB] =	sst s10  }
0x38: {  	s10 =	sld [smem:$0x3FBC]  }
0x39: {  	_ = 	snop;
	(pc) =	sbr.ind lr, $3  }
0x3a: {  	_ = 	snop  }
0x3b: {  	_ = 	snop  }
0x3c: {  	p2 =	seq.s32 s10, $0x1;
	s10 =	sld [smem:$0x3FBB]  }
0x3d: {  	_ =	shalt  }
0x3e: {  	_ =	shalt  }
0x3f: {  	_ =	shalt  }
0x40: {  	_ =	shalt  }
0x41: {  	_ =	shalt  }
0x42: {  	_ =	shalt  }
0x43: {  	_ =	shalt  }
0x44: {  	_ =	shalt  }
0x45: {  	_ =	shalt  }
0x46: {  	_ =	shalt  }
0x47: {  	_ =	shalt  }
0x48: {  	_ =	shalt  }
0x49: {  	_ =	shalt  }
0x4a: {  	_ =	shalt  }
0x4b: {  	_ =	shalt  }
0x4c: {  	_ =	shalt  }
0x4d: {  	_ =	shalt  }
0x4e: {  	_ =	shalt  }
0x4f: {  	_ =	shalt  }
0x50: {  	_ =	shalt  }
0x51: {  	_ =	shalt  }
0x52: {  	_ =	shalt  }
0x53: {  	_ =	shalt  }
0x54: {  	_ =	shalt  }
0x55: {  	_ =	shalt  }
0x56: {  	_ =	shalt  }
0x57: {  	_ =	shalt  }
0x58: {  	_ =	shalt  }
0x59: {  	_ =	shalt  }
0x5a: {  	_ =	shalt  }
0x5b: {  	_ =	shalt  }
0x5c: {  	_ =	shalt  }
0x5d: {  	_ =	shalt  }
0x5e: {  	_ =	shalt  }
0x5f: {  	_ =	shalt  }
0x60: {  	_ =	shalt  }
0x61: {  	_ =	shalt  }
0x62: {  	_ =	shalt  }
0x63: {  	_ =	shalt  }
0x64: {  	_ =	shalt  }
0x65: {  	_ =	shalt  }
0x66: {  	_ =	shalt  }
0x67: {  	_ =	shalt  }
0x68: {  	_ =	shalt  }
0x69: {  	_ =	shalt  }
0x6a: {  	_ =	shalt  }
0x6b: {  	_ =	shalt  }
0x6c: {  	_ =	shalt  }
0x6d: {  	_ =	shalt  }
0x6e: {  	_ =	shalt  }
0x6f: {  	_ =	shalt  }
0x70: {  	_ =	shalt  }
0x71: {  	_ =	shalt  }
0x72: {  	_ =	shalt  }
0x73: {  	_ =	shalt  }
0x74: {  	_ =	shalt  }
0x75: {  	_ =	shalt  }
0x76: {  	_ =	shalt  }
0x77: {  	_ =	shalt  }
0x78: {  	_ =	shalt  }
0x79: {  	_ =	shalt  }
0x7a: {  	_ =	shalt  }
0x7b: {  	_ =	shalt  }
0x7c: {  	_ =	shalt  }
0x7d: {  	_ =	shalt  }
0x7e: {  	_ =	shalt  }
0x7f: {  	_ =	shalt  }
0x80: {  	_ =	shalt  }
0x81: {  	_ =	shalt  }
0x82: {  	_ =	shalt  }
0x83: {  	_ =	shalt  }
0x84: {  	_ =	shalt  }
0x85: {  	_ =	shalt  }
0x86: {  	_ =	shalt  }
0x87: {  	_ =	shalt  }
.Lfunc_end0:
.L_simem_size_0:
called_computation_lowered:
.L_overlay_start_0:
0x88: {  	s2 =	sld [smem:$0x3FD9]  }
0x89: {  	s3 =	sld [smem:$0x3FFE];
	_ =	sdelay $0x1  }
0x8a: {  	s1 =	srdreg.scid  }
0x8b: {  	s0 =	sand.u32 $0x1, s1  }
0x8c: {  	s18 =	sshll.u32 s0, $0xA;
	s2 =	sadd.s32 s3, s2  }
0x8d: {  	s2 =	sadd.s32 s2, s18  }
0x8e: {  	[smem:$0x3FC7] =	sst s2  }
0x8f: {  	_ = 	snop  }
0x90: {  	s2 =	sld [smem:$0x3FC9]  }
0x91: {  	s19 =	sld [smem:$0x3FD0];
	(tm) =	ssettm $0x1  }
0x92: {  	s4 =	sld [smem:$0x3FFB];
	_ =	sdelay $0x3  }
0x93: {  	_ =	strace s4  }
0x94: {  	s4 =	sld [smem:$0x3FFC];
	_ =	sdelay $0x3  }
0x95: {  	_ =	strace s4  }
0x96: {  	s4 =	sld [smem:$0x3FFD];
	_ =	sdelay $0x3  }
0x97: {  	_ =	strace s4  }
0x98: {  	_ =	strace $0x8FFFFFFF  }
0x99: {  	s20 =	sld [smem:$0x3FDB];
	_ =	sdelay $0x1  }
0x9a: {  	s5 =	simm.s32 $_scs_section_size  }
0x9b: {  	s6 =	simm.s32 $_size__tile_overlayer_lowered;
	s7 =	simm.s32 $_tile_overlayer_lowered  }
0x9c: {  	s23 =	simm.s32 $0x1BFF;
	s22 =	sshll.u32 s7, $0x1;
	s4 =	sadd.s32 s5, s20  }
0x9d: {  	s8 =	simm.s32 $0x0;
	s21 =	sshll.u32 s6, $0x1;
	s6 =	sadd.s32 s22, s4  }
0x9e: {  	[timem:s8], [sflag:s23] =	dma.local [hbm:s6], s21  }
0x9f: {  	_ =	swait.ge [sflag:s23], s21  }
0xa0: {  	s5 =	ssub.s32 $0x0, s21;
	[sflag:s23] =	ssyncset.done $0x0  }
0xa1: {  	[sflag:s23] =	ssyncadd.s32 s5;
	_ =	sdelay $0x1  }
0xa2: {  	s24 =	simm.s32 $0x1B8B  }
0xa3: {  	_ =	swait.ge [sflag:s24], $0x1  }
0xa4: {  	[sflag:s24] =	ssyncset.done $0x0  }
0xa5: {  	s25 =	simm.s32 $0x1B8E;
	[sflag:s24] =	ssyncadd.s32 $0xFFFFFFFF  }
0xa6: {  	s26 =	simm.s32 $execute0_lowered;
	[smem:$0x3FD2] =	sst s25  }
0xa7: {  	s5 =	sshll.u32 s26, $0x1;
	_ =	strace $0x80000046;
	[dreg:$0x1] =	wrdreg $0xFFFFFFFF  }
0xa8: {  	s28 =	simm.s32 $_size_execute0_lowered;
	s4 =	sadd.s32 s4, s5;
	[dreg:$0x0] =	wrdreg $0x0  }
0xa9: {  	s5 =	sshll.u32 s28, $0x1;
	[dreg:$0x2] =	wrdreg s4  }
0xaa: {  	[dreg:$0x3] =	wrdreg s5  }
0xab: {  	[dreg:$0x4] =	wrdreg $0xC0  }
0xac: {  	_ =	task [dreg:s8], $0x5FFFF  }
0xad: {  	[dreg:$0x1] =	wrdreg $0xFFFFFFFF  }
0xae: {  	[dreg:$0x0] =	wrdreg $0x60  }
0xaf: {  	[dreg:$0x2] =	wrdreg s2  }
0xb0: {  	[dreg:$0x3] =	wrdreg s19  }
0xb1: {  	[dreg:$0x4] =	wrdreg $0x9  }
0xb2: {  	_ =	task.clear_ibuf [dreg:s8], $0x5FFFF;
	_ =	strace $0x90000046  }
0xb3: {  	s29 =	simm.s32 $0x9;
	_ =	strace $0x80000048  }
0xb4: {  	_ =	swait.ge [sflag:s29], $0x1  }
0xb5: {  	[sflag:s29] =	ssyncadd.s32 $0xFFFFFFFF  }
0xb6: {  	_ =	strace $0x90000048  }
0xb7: {  	_ =	sfence  }
0xb8: {  	s30 =	sld [smem:$0x0];
	_ =	sdelay $0x2  }
0xb9: {  	s31 =	sshll.u32 s1, $0xD;
	s1 =	sshrl.u32 s1, $0x2  }
0xba: {  	s3 =	sand.u32 $0x4000, s31;
	s1 =	sadd.s32 s1, s30  }
0xbb: {  	s0 =	sor.u32 s3, s0;
	s1 =	sshll.u32 s1, $0x11  }
0xbc: {  	s0 =	sor.u32 s1, s0  }
0xbd: {  	s0 =	sadd.s32 $0x8F2B, s0  }
0xbe: {  	[sflag:s0] =	ssyncadd.remote.s32 $0x1  }
0xbf: {  	_ =	sfence.sel $0xFFFF  }
0xc0: {  	[dreg:$0x0] =	wrdreg $0xFFFFFFFF;
	(pc) =	sbr.abs _section_cstart, $3  }
0xc1: {  	[dreg:$0x1] =	wrdreg $0xFFFFFFFF  }
0xc2: {  	_ =	task.clear_ibuf [dreg:s8], $0x2FFFF;
	_ =	strace $0x9FFFFFFF  }
0xc3: {  	(tm) =	ssettm $0x7FFFFFFF  }
tec
execute0_lowered:
.L_overlay_start_1:
0x0: {  	(tag) =	ssettag $0x1  }
0x1: {  	s2 =	rddreg [dreg:$0x0];
	s1 =	srdreg.scid  }
0x2: {  	s0 =	stileid.u32;
	s10 =	rddreg [dreg:$0x1]  }
0x3: {  	s14 =	simm.s32 $0x8000;
	s15 =	simm.s32 $0xC000;
	s16 =	simm.s32 $0x10000  }
0x4: {  	s17 =	simm.s32 $0x14000;
	s18 =	simm.s32 $0x1;
	s19 =	simm.s32 $0x18000  }
0x5: {  	s20 =	simm.s32 $0x2;
	s21 =	simm.s32 $0x3;
	s22 =	simm.s32 $0x1A080  }
0x6: {  	s23 =	simm.s32 $0x1A000;
	s24 =	simm.s32 $0x0;
	s4 =	sand.u32 $0x1, s1  }
0x7: {  	s3 =	sshll.u32 s0, $0x1;
	s1 =	rddreg [dreg:$0x2];
	s8 =	sshll.u32 s0, $0x7  }
0x8: {  	s13 =	sadd.s32 $0x80, s10;
	s5 =	sor.u32 s4, s3;
	s3 =	simm.s32 $0x0  }
0x9: {  	s6 =	ssub.s32 $0x2, s4;
	s8 =	sand.u32 $0x700, s8;
	s4 =	smul.u32 $0x180000, s5  }
0xa: {  	[smem:$0x7FF] =	sst s3;
	s7 =	sshrl.u32 s6, $0x1;
	s31 =	sshll.u32 s5, $0x5  }
0xb: {  	_ =	strace $0x80000047;
	s12 =	ssub.s32 s6, s7;
	s9 =	sand.u32 $0x60, s31  }
0xc: {  	v0 =	vlaneseq.u32;
	s30 =	sshrl.u32 s4, $0x3;
	s11 =	sor.u32 s8, s9;
	s12 =	smax.u32 s12, $0x1  }
0xd: {  	v1 =	vmul.u32 $0x100, v0;
	s5 =	sadd.s32 s2, s30;
	s8 =	sadd.s32 s10, s11;
	s9 =	sadd.s32 s11, s13  }
0xe: {  	s11 =	sor.u32 $0x10, s11;
	s6 =	sadd.s32 $0x8000, s5;
	s7 =	sadd.s32 $0x10000, s5  }
0xf: {  	v2 =	vimm.f32 $1.000000000e+00;
	v0 =	vimm.f32 $0.0e+00;
	v1 =	vor.u32 $0xB5000000, v1;
	s10 =	sadd.s32 s10, s11;
	s11 =	sadd.s32 s11, s13;
	s13 =	simm.s32 $0x4000  }
.LBB2_1:
0x10: {  	s25 =	simm.s32 $0x40;
	s26 =	simm.s32 $0x0  }
.LBB2_2:
0x11: {  	p0 =	sne.s32 s25, $0x7FC0;
	[tilespmem:s26+$0x18000] =	vst v0;
	s26 =	smov.u32 s25;
	s25 =	sadd.s32 $0x40, s25  }
.Ltmp0:
0x12: {  	(pc) =	sbr.rel @p0 .LBB2_2-.Ltmp0, $2  }
0x13: {  	_ =	sdelay $0x2  }
0x14: {  	s26 =	sshra.s32 s26, $0x2  }
0x15: {  	[tilespmem:s26+$0x18000] =	vst v0;
	s25 =	simm.s32 $0x0  }
0x16: {  	[tilespmem:s25], [sflag:$0x1] =	stream.linear.gather [hbm4b:s5+s25], $0x4000, $0x38;
	[tilespmem:$0x1A100] =	vst v63  }
0x17: {  	_ = 	snop  }
0x18: {  	[tilespmem:s13], [sflag:$0x1] =	stream.linear.gather [hbm4b:s6+s25], $0x4000, $0x38;
	[tilespmem:$0x1A100] =	vst v63  }
0x19: {  	_ = 	snop  }
0x1a: {  	[tilespmem:s14], [sflag:$0x1] =	stream.linear.gather [hbm4b:s7+s25], $0x4000, $0x38;
	[tilespmem:$0x1A100] =	vst v63  }
.LBB2_4:
0x1b: {  	p0 =	sgt.u32 s25, $0x7;
	s28 =	simm.s32 $0x3FFF0  }
0x1c: {  	s26 =	sshll.u32 s25, $0x1;
	s29 =	simm.s32 $0xC0000;
	s28 =	simm.s32 @!p0 $0x0  }
0x1d: {  	s29 =	simm.s32 @!p0 $0x0;
	s28 =	sadd.s32 s26, s28  }
0x1e: {  	s29 =	sadd.s32 s4, s29;
	s28 =	sshll.u32 s28, $0xE  }
0x1f: {  	s28 =	sadd.s32 s28, s29  }
0x20: {  	s29 =	sadd.s32 $0x4000, s28  }
0x21: {  	s29 =	sshrl.u32 s29, $0x3  }
0x22: {  	s29 =	sadd.s32 s2, s29  }
0x23: {  	[tilespmem:s15], [sflag:$0x2] =	stream.linear.gather [hbm4b:s29+s3], $0x4000, $0x38;
	[tilespmem:$0x1A100] =	vst v63  }
0x24: {  	s29 =	sadd.s32 $0x44000, s28  }
0x25: {  	s28 =	sadd.s32 $0x84000, s28;
	s29 =	sshrl.u32 s29, $0x3  }
0x26: {  	s28 =	sshrl.u32 s28, $0x3;
	s29 =	sadd.s32 s2, s29  }
0x27: {  	[tilespmem:s16], [sflag:$0x2] =	stream.linear.gather [hbm4b:s29+s3], $0x4000, $0x38;
	[tilespmem:$0x1A100] =	vst v63  }
0x28: {  	s28 =	sadd.s32 s2, s28  }
0x29: {  	[tilespmem:s17], [sflag:$0x2] =	stream.linear.gather [hbm4b:s28+s3], $0x4000, $0x38;
	[tilespmem:$0x1A100] =	vst v63  }
0x2a: {  	_ =	swait.ge [sflag:s18], $0x4000  }
0x2b: {  	[sflag:s18] =	ssyncset.done $0x0  }
0x2c: {  	[sflag:s18] =	ssyncadd.s32 $0xFFFFC000  }
0x2d: {  	_ =	swait.ge [sflag:s18], $0x4000  }
0x2e: {  	[sflag:s18] =	ssyncset.done $0x0  }
0x2f: {  	[sflag:s18] =	ssyncadd.s32 $0xFFFFC000  }
0x30: {  	_ =	swait.ge [sflag:s18], $0x4000  }
0x31: {  	[sflag:s18] =	ssyncset.done $0x0  }
0x32: {  	s28 =	simm.s32 $0x8040;
	[sflag:s18] =	ssyncadd.s32 $0xFFFFC000  }
0x33: {  	v3 =	vld [tilespmem:s28+$0x20]  }
0x34: {  	s29 =	simm.s32 $0x40;
	v4 =	vld [tilespmem:s28+$0x30]  }
0x35: {  	v5 =	vld [tilespmem:s29+$0x20]  }
0x36: {  	s30 =	simm.s32 $0x4040;
	v6 =	vld [tilespmem:s29+$0x30]  }
0x37: {  	v7 =	vld [tilespmem:s30+$0x20]  }
0x38: {  	v8 =	vld [tilespmem:s30+$0x30]  }
0x39: {  	v9 =	vld [tilespmem:s29+$0xFFFFFFD0]  }
0x3a: {  	v10 =	vld [tilespmem:s30+$0xFFFFFFC0]  }
0x3b: {  	v11 =	vld [tilespmem:s30+$0xFFFFFFD0]  }
0x3c: {  	v12 =	vld [tilespmem:s29+$0xFFFFFFE0]  }
0x3d: {  	v13 =	vld [tilespmem:s29+$0xFFFFFFF0]  }
0x3e: {  	v18 =	vld [tilespmem:s28+$0xFFFFFFD0]  }
0x3f: {  	v19 =	vld [tilespmem:s28+$0xFFFFFFE0]  }
0x40: {  	v20 =	vld [tilespmem:s28+$0xFFFFFFF0]  }
0x41: {  	v21 =	vld [tilespmem:s28+$0x0]  }
0x42: {  	v22 =	vld [tilespmem:s28+$0x10];
	v5 =	vadd.s32 $0x8000, v5;
	v3 =	vadd.s32 $0x8000, v3;
	v4 =	vadd.s32 $0x8000, v4  }
0x43: {  	v6 =	vadd.s32 $0x8000, v6;
	v7 =	vadd.s32 $0x8000, v7;
	v8 =	vadd.s32 $0x8000, v8  }
0x44: {  	v9 =	vadd.s32 $0x8000, v9;
	v10 =	vadd.s32 $0x8000, v10;
	v11 =	vadd.s32 $0x8000, v11  }
0x45: {  	v12 =	vadd.s32 $0x8000, v12;
	v13 =	vadd.s32 $0x8000, v13;
	v18 =	vadd.s32 $0x8000, v18  }
0x46: {  	v19 =	vadd.s32 $0x8000, v19;
	v20 =	vadd.s32 $0x8000, v20;
	v21 =	vadd.s32 $0x8000, v21  }
0x47: {  	v22 =	vadd.s32 $0x8000, v22;
	v5 =	vand.u32 $0xFFFF0000, v5;
	v6 =	vand.u32 $0xFFFF0000, v6  }
0x48: {  	v7 =	vand.u32 $0xFFFF0000, v7;
	v8 =	vand.u32 $0xFFFF0000, v8;
	v3 =	vand.u32 $0xFFFF0000, v3  }
0x49: {  	v4 =	vand.u32 $0xFFFF0000, v4;
	v9 =	vand.u32 $0xFFFF0000, v9;
	v10 =	vand.u32 $0xFFFF0000, v10  }
0x4a: {  	v11 =	vand.u32 $0xFFFF0000, v11;
	v12 =	vand.u32 $0xFFFF0000, v12;
	v13 =	vand.u32 $0xFFFF0000, v13  }
0x4b: {  	v14 =	vld [tilespmem:s30+$0xFFFFFFE0];
	v18 =	vand.u32 $0xFFFF0000, v18;
	v5 =	vmul.f32 $7.650000000e+01, v5;
	v7 =	vmul.f32 $1.500000000e+02, v7  }
0x4c: {  	v15 =	vld [tilespmem:s30+$0xFFFFFFF0];
	v19 =	vand.u32 $0xFFFF0000, v19;
	v6 =	vmul.f32 $7.650000000e+01, v6;
	v8 =	vmul.f32 $1.500000000e+02, v8  }
0x4d: {  	v16 =	vld [tilespmem:s29+$0x0];
	v20 =	vand.u32 $0xFFFF0000, v20;
	v3 =	vmul.f32 $2.912500000e+01, v3;
	v4 =	vmul.f32 $2.912500000e+01, v4  }
0x4e: {  	v17 =	vld [tilespmem:s29+$0x10];
	v9 =	vmul.f32 $7.650000000e+01, v9;
	v11 =	vmul.f32 $1.500000000e+02, v11;
	v5 =	vadd.f32 v7, v5  }
0x4f: {  	v10 =	vmul.f32 $1.500000000e+02, v10;
	v12 =	vmul.f32 $7.650000000e+01, v12;
	v7 =	vld [tilespmem:s30+$0x0];
	v6 =	vadd.f32 v8, v6  }
0x50: {  	v13 =	vmul.f32 $7.650000000e+01, v13;
	v8 =	vld [tilespmem:s30+$0x10];
	v9 =	vadd.f32 v11, v9;
	s30 =	simm.s32 $0x80C0;
	v3 =	vadd.f32 v3, v5  }
0x51: {  	v11 =	vld [tilespmem:s30+$0x20];
	v4 =	vadd.f32 v4, v6;
	v6 =	vadd.s32 $0x8000, v14;
	v14 =	vadd.s32 $0x8000, v15  }
0x52: {  	v27 =	vld [tilespmem:s30+$0xFFFFFFD0];
	v6 =	vand.u32 $0xFFFF0000, v6;
	v14 =	vand.u32 $0xFFFF0000, v14;
	v15 =	vadd.f32 $8.388607500e+06, v3  }
0x53: {  	v28 =	vld [tilespmem:s30+$0xFFFFFFE0];
	v3 =	vadd.s32 $0x8000, v16;
	v16 =	vadd.s32 $0x8000, v17;
	v4 =	vadd.f32 $8.388607500e+06, v4  }
0x54: {  	v32 =	vld [tilespmem:s30+$0x10];
	v6 =	vmul.f32 $1.500000000e+02, v6;
	v14 =	vmul.f32 $1.500000000e+02, v14;
	v7 =	vadd.s32 $0x8000, v7  }
0x55: {  	v5 =	vld [tilespmem:s29+$0xFFFFFFC0];
	v8 =	vadd.s32 $0x8000, v8;
	v3 =	vand.u32 $0xFFFF0000, v3;
	v16 =	vand.u32 $0xFFFF0000, v16  }
0x56: {  	v7 =	vand.u32 $0xFFFF0000, v7;
	v8 =	vand.u32 $0xFFFF0000, v8;
	v3 =	vmul.f32 $7.650000000e+01, v3  }
0x57: {  	v16 =	vmul.f32 $7.650000000e+01, v16;
	v6 =	vadd.f32 v6, v12;
	v12 =	vmul.f32 $2.912500000e+01, v18  }
0x58: {  	v17 =	vld [tilespmem:s28+$0xFFFFFFC0];
	s28 =	simm.s32 $0xC0;
	v13 =	vadd.f32 v14, v13;
	v18 =	vmul.f32 $2.912500000e+01, v20;
	v11 =	vadd.s32 $0x8000, v11  }
0x59: {  	v25 =	vld [tilespmem:s28+$0x0];
	v27 =	vadd.s32 $0x8000, v27;
	v28 =	vadd.s32 $0x8000, v28;
	v63 =	vadd.s32 $0x8000, v32  }
0x5a: {  	v26 =	vld [tilespmem:s28+$0x10];
	v5 =	vadd.s32 $0x8000, v5;
	v7 =	vmul.f32 $1.500000000e+02, v7;
	v8 =	vmul.f32 $1.500000000e+02, v8  }
0x5b: {  	v11 =	vand.u32 $0xFFFF0000, v11;
	v5 =	vand.u32 $0xFFFF0000, v5;
	v9 =	vadd.f32 v12, v9  }
0x5c: {  	v14 =	vld [tilespmem:s30+$0x30];
	v13 =	vadd.f32 v18, v13;
	v11 =	vmul.f32 $2.912500000e+01, v11;
	v5 =	vmul.f32 $7.650000000e+01, v5  }
0x5d: {  	s29 =	sshll.u32 s25, $0x9;
	v17 =	vadd.s32 $0x8000, v17;
	v7 =	vadd.f32 v7, v3;
	v3 =	vmul.f32 $2.912500000e+01, v19  }
0x5e: {  	s31 =	sand.u32 $0x1000, s29;
	s29 =	simm.s32 $0x40C0;
	v8 =	vadd.f32 v8, v16;
	v17 =	vand.u32 $0xFFFF0000, v17;
	v9 =	vadd.f32 $8.388607500e+06, v9  }
0x5f: {  	v12 =	vld [tilespmem:s29+$0x20];
	v60 =	vadd.s32 $0x8000, v25;
	v61 =	vadd.s32 $0x8000, v26;
	v5 =	vadd.f32 v10, v5  }
0x60: {  	v16 =	vld [tilespmem:s28+$0x20];
	v10 =	vand.u32 $0xFFFF0000, v21;
	v21 =	vand.u32 $0xFFFF0000, v22;
	v17 =	vmul.f32 $2.912500000e+01, v17  }
0x61: {  	v19 =	vld [tilespmem:s28+$0x30];
	v6 =	vadd.f32 v3, v6;
	v3 =	vor.u32 s31, v1;
	v14 =	vadd.s32 $0x8000, v14  }
0x62: {  	v25 =	vand.u32 $0xFFFF0000, v61;
	v10 =	vmul.f32 $2.912500000e+01, v10;
	v9 =	vadd.s32 v9, v3  }
0x63: {  	v30 =	vld [tilespmem:s30+$0x0];
	v14 =	vand.u32 $0xFFFF0000, v14;
	v5 =	vadd.f32 v17, v5;
	v17 =	vmul.f32 $2.912500000e+01, v21  }
0x64: {  	v24 =	vld [tilespmem:s29+$0xFFFFFFF0];
	v20 =	vadd.f32 $8.388607500e+06, v6;
	v6 =	vadd.f32 $8.388607500e+06, v13;
	v12 =	vadd.s32 $0x8000, v12  }
0x65: {  	v18 =	vld [tilespmem:s28+$0xFFFFFFD0];
	v14 =	vmul.f32 $2.912500000e+01, v14;
	v7 =	vadd.f32 v10, v7;
	v10 =	vadd.s32 v15, v3  }
0x66: {  	v15 =	vld [tilespmem:s29+$0x30];
	v13 =	vadd.s32 $0x8000, v16;
	v19 =	vadd.s32 $0x8000, v19;
	v12 =	vand.u32 $0xFFFF0000, v12  }
0x67: {  	v16 =	vld [tilespmem:s28+$0xFFFFFFF0];
	v5 =	vadd.f32 $8.388607500e+06, v5;
	v8 =	vadd.f32 v17, v8;
	v17 =	vadd.s32 v4, v3  }
0x68: {  	v21 =	vld [tilespmem:s29+$0xFFFFFFC0];
	v23 =	vadd.s32 v20, v3;
	v13 =	vand.u32 $0xFFFF0000, v13;
	v19 =	vand.u32 $0xFFFF0000, v19  }
0x69: {  	v12 =	vmul.f32 $1.500000000e+02, v12;
	v4 =	vadd.f32 $8.388607500e+06, v7;
	v7 =	vld [tilespmem:s29+$0xFFFFFFD0];
	v13 =	vmul.f32 $7.650000000e+01, v13  }
0x6a: {  	v19 =	vmul.f32 $7.650000000e+01, v19;
	v22 =	vadd.s32 v5, v3;
	v5 =	vadd.f32 $8.388607500e+06, v8;
	v8 =	vld [tilespmem:s28+$0xFFFFFFE0]  }
0x6b: {  	v20 =	vld [tilespmem:s29+$0xFFFFFFE0];
	v12 =	vadd.f32 v12, v13;
	v13 =	vadd.s32 $0x8000, v18;
	v15 =	vadd.s32 $0x8000, v15  }
0x6c: {  	v18 =	vld [tilespmem:s29+$0x0];
	v16 =	vadd.s32 $0x8000, v16;
	v13 =	vand.u32 $0xFFFF0000, v13;
	v15 =	vand.u32 $0xFFFF0000, v15  }
0x6d: {  	[tilespmem:v10+s19+$0x0] =	vst.idx.add.f32.msk $0xffff, v2;
	v11 =	vadd.f32 v11, v12;
	v16 =	vand.u32 $0xFFFF0000, v16;
	v34 =	vmul.f32 $7.650000000e+01, v13  }
0x6e: {  	[tilespmem:v17+s19+$0x0] =	vst.idx.add.f32.msk $0xffff, v2;
	v17 =	vand.u32 $0xFFFF0000, v28;
	v15 =	vmul.f32 $1.500000000e+02, v15;
	v7 =	vadd.s32 $0x8000, v7  }
0x6f: {  	v12 =	vld [tilespmem:s28+$0xFFFFFFC0];
	v10 =	vmul.f32 $7.650000000e+01, v16;
	v8 =	vadd.s32 $0x8000, v8;
	v11 =	vadd.f32 $8.388607500e+06, v11  }
0x70: {  	v7 =	vand.u32 $0xFFFF0000, v7;
	[tilespmem:v22+s19+$0x0] =	vst.idx.add.f32.msk $0xffff, v2;
	v22 =	vadd.s32 $0x8000, v30;
	v15 =	vadd.f32 v15, v19  }
0x71: {  	v19 =	vadd.s32 $0x8000, v21;
	v18 =	vadd.s32 $0x8000, v18;
	v8 =	vand.u32 $0xFFFF0000, v8  }
0x72: {  	v35 =	vmul.f32 $1.500000000e+02, v7;
	v7 =	vmul.f32 $7.650000000e+01, v25;
	[tilespmem:v9+s19+$0x0] =	vst.idx.add.f32.msk $0xffff, v2;
	v9 =	vand.u32 $0xFFFF0000, v63  }
0x73: {  	v29 =	vld [tilespmem:s30+$0xFFFFFFF0];
	v62 =	vadd.s32 v11, v3;
	v19 =	vand.u32 $0xFFFF0000, v19;
	v18 =	vand.u32 $0xFFFF0000, v18  }
0x74: {  	v21 =	vld [tilespmem:s29+$0x10];
	v36 =	vmul.f32 $7.650000000e+01, v8;
	v14 =	vadd.f32 v14, v15;
	v15 =	vadd.s32 $0x8000, v20  }
0x75: {  	v20 =	vadd.s32 $0x8000, v24;
	v12 =	vadd.s32 $0x8000, v12;
	v24 =	vand.u32 $0xFFFF0000, v60  }
0x76: {  	v11 =	vld [tilespmem:s30+$0xFFFFFFC0];
	v19 =	vmul.f32 $1.500000000e+02, v19;
	v13 =	vmul.f32 $1.500000000e+02, v18;
	v14 =	vadd.f32 $8.388607500e+06, v14  }
0x77: {  	v12 =	vand.u32 $0xFFFF0000, v12;
	v15 =	vand.u32 $0xFFFF0000, v15;
	v20 =	vand.u32 $0xFFFF0000, v20  }
0x78: {  	v31 =	vmul.f32 $7.650000000e+01, v12;
	v37 =	vmul.f32 $1.500000000e+02, v15;
	v14 =	vadd.s32 v14, v3  }
0x79: {  	v15 =	vadd.s32 $0x8000, v29;
	v12 =	vmul.f32 $1.500000000e+02, v20;
	v21 =	vadd.s32 $0x8000, v21  }
0x7a: {  	v20 =	vand.u32 $0xFFFF0000, v27;
	v15 =	vand.u32 $0xFFFF0000, v15;
	v21 =	vand.u32 $0xFFFF0000, v21  }
0x7b: {  	[tilespmem:v23+s19+$0x0] =	vst.idx.add.f32.msk $0xffff, v2;
	v33 =	vadd.s32 $0x8000, v11;
	v11 =	vmul.f32 $7.650000000e+01, v24;
	v16 =	vadd.f32 v19, v31  }
0x7c: {  	[tilespmem:v62+s19+$0x0] =	vst.idx.add.f32.msk $0xffff, v2;
	v19 =	vadd.f32 v37, v36;
	v18 =	vand.u32 $0xFFFF0000, v33;
	v8 =	vmul.f32 $1.500000000e+02, v21  }
0x7d: {  	s31 =	simm.s32 $0x8140;
	s30 =	simm.s32 $0x80;
	v21 =	vmul.f32 $2.912500000e+01, v18;
	v18 =	vadd.f32 v35, v34;
	[tilespmem:v14+s19+$0x0] =	vst.idx.add.f32.msk $0xffff, v2;
	v14 =	vand.u32 $0xFFFF0000, v22  }
.LBB2_5:
0x7e: {  	v22 =	vld [tilespmem:s31+$0x20];
	v20 =	vmul.f32 $2.912500000e+01, v20;
	v10 =	vadd.f32 v12, v10;
	v11 =	vadd.f32 v13, v11  }
0x7f: {  	v13 =	vmul.f32 $2.912500000e+01, v17;
	v15 =	vmul.f32 $2.912500000e+01, v15;
	v17 =	vadd.f32 v8, v7;
	s28 =	sadd.s32 $0x80, s28;
	v12 =	vld [tilespmem:s31+$0x30]  }
0x80: {  	v8 =	vmul.f32 $2.912500000e+01, v14;
	v9 =	vmul.f32 $2.912500000e+01, v9;
	v16 =	vadd.f32 v21, v16;
	v23 =	vld [tilespmem:s28+$0x20]  }
0x81: {  	s29 =	sadd.s32 $0x80, s29;
	v7 =	vadd.s32 v6, v3;
	v18 =	vadd.f32 v20, v18;
	v13 =	vadd.f32 v13, v19;
	v14 =	vld [tilespmem:s28+$0x30]  }
0x82: {  	v6 =	vadd.f32 v15, v10;
	v10 =	vadd.f32 v8, v11;
	v8 =	vadd.s32 v4, v3;
	v19 =	vld [tilespmem:s29+$0x20]  }
0x83: {  	v15 =	vadd.f32 v9, v17;
	v9 =	vadd.s32 v5, v3;
	v4 =	vadd.f32 $8.388607500e+06, v16;
	v11 =	vld [tilespmem:s29+$0x30]  }
0x84: {  	s30 =	sadd.s32 $0x80, s30;
	v5 =	vadd.f32 $8.388607500e+06, v18;
	v13 =	vadd.f32 $8.388607500e+06, v13;
	v16 =	vld [tilespmem:s28+$0xFFFFFFD0]  }
0x85: {  	p1 =	slt.u32 s30, $0x3F80;
	v6 =	vadd.f32 $8.388607500e+06, v6;
	v18 =	vadd.s32 v4, v3;
	v4 =	vadd.f32 $8.388607500e+06, v10;
	v17 =	vld [tilespmem:s29+$0xFFFFFFC0]  }
0x86: {  	v20 =	vadd.s32 v5, v3;
	v13 =	vadd.s32 v13, v3;
	v5 =	vadd.f32 $8.388607500e+06, v15;
	v10 =	vld [tilespmem:s29+$0xFFFFFFD0]  }
0x87: {  	v22 =	vadd.s32 $0x8000, v22;
	v12 =	vadd.s32 $0x8000, v12;
	v21 =	vadd.s32 $0x8000, v23;
	v15 =	vld [tilespmem:s28+$0xFFFFFFE0]  }
0x88: {  	v14 =	vadd.s32 $0x8000, v14;
	v19 =	vadd.s32 $0x8000, v19;
	v23 =	vld [tilespmem:s28+$0xFFFFFFF0];
	v11 =	vadd.s32 $0x8000, v11  }
0x89: {  	v21 =	vand.u32 $0xFFFF0000, v21;
	v14 =	vand.u32 $0xFFFF0000, v14;
	v19 =	vand.u32 $0xFFFF0000, v19;
	v24 =	vld [tilespmem:s29+$0xFFFFFFE0]  }
0x8a: {  	v21 =	vmul.f32 $7.650000000e+01, v21;
	v11 =	vand.u32 $0xFFFF0000, v11;
	v19 =	vmul.f32 $1.500000000e+02, v19;
	v25 =	vld [tilespmem:s29+$0xFFFFFFF0]  }
0x8b: {  	v22 =	vand.u32 $0xFFFF0000, v22;
	v14 =	vmul.f32 $7.650000000e+01, v14;
	v11 =	vmul.f32 $1.500000000e+02, v11;
	v26 =	vld [tilespmem:s28+$0x0]  }
0x8c: {  	v12 =	vand.u32 $0xFFFF0000, v12;
	v19 =	vadd.f32 v19, v21;
	v21 =	vmul.f32 $2.912500000e+01, v22;
	v27 =	vld [tilespmem:s28+$0x10]  }
0x8d: {  	v12 =	vmul.f32 $2.912500000e+01, v12;
	v16 =	vadd.s32 $0x8000, v16;
	v11 =	vadd.f32 v11, v14;
	v22 =	vld [tilespmem:s29+$0x0]  }
0x8e: {  	v10 =	vadd.s32 $0x8000, v10;
	v14 =	vadd.s32 $0x8000, v17;
	v19 =	vadd.f32 v21, v19;
	v17 =	vld [tilespmem:s29+$0x10]  }
0x8f: {  	v15 =	vadd.s32 $0x8000, v15;
	v23 =	vadd.s32 $0x8000, v23;
	v11 =	vadd.f32 v12, v11;
	v21 =	vld [tilespmem:s28+$0xFFFFFFC0]  }
0x90: {  	v24 =	vadd.s32 $0x8000, v24;
	v25 =	vadd.s32 $0x8000, v25;
	v19 =	vadd.f32 $8.388607500e+06, v19;
	v12 =	vld [tilespmem:s31+$0xFFFFFFC0]  }
0x91: {  	v26 =	vadd.s32 $0x8000, v26;
	v11 =	vadd.f32 $8.388607500e+06, v11;
	v28 =	vld [tilespmem:s31+$0xFFFFFFD0];
	v27 =	vadd.s32 $0x8000, v27  }
0x92: {  	v16 =	vand.u32 $0xFFFF0000, v16;
	v19 =	vadd.s32 v19, v3;
	v29 =	vld [tilespmem:s31+$0xFFFFFFE0];
	v22 =	vadd.s32 $0x8000, v22  }
0x93: {  	v14 =	vand.u32 $0xFFFF0000, v14;
	v11 =	vadd.s32 v11, v3;
	v30 =	vld [tilespmem:s31+$0xFFFFFFF0];
	v17 =	vadd.s32 $0x8000, v17  }
0x94: {  	v10 =	vand.u32 $0xFFFF0000, v10;
	v15 =	vand.u32 $0xFFFF0000, v15;
	v21 =	vadd.s32 $0x8000, v21;
	v31 =	vld [tilespmem:s31+$0x0]  }
0x95: {  	v23 =	vand.u32 $0xFFFF0000, v23;
	v24 =	vand.u32 $0xFFFF0000, v24;
	v21 =	vand.u32 $0xFFFF0000, v21;
	v32 =	vld [tilespmem:s31+$0x10]  }
0x96: {  	v25 =	vand.u32 $0xFFFF0000, v25;
	v26 =	vand.u32 $0xFFFF0000, v26;
	v27 =	vand.u32 $0xFFFF0000, v27;
	[tilespmem:v18+s19+$0x0] =	vst.idx.add.f32.msk $0xffff, v2  }
0x97: {  	v17 =	vand.u32 $0xFFFF0000, v17;
	v18 =	vmul.f32 $7.650000000e+01, v21;
	v21 =	vand.u32 $0xFFFF0000, v22;
	[tilespmem:v19+s19+$0x0] =	vst.idx.add.f32.msk $0xffff, v2  }
0x98: {  	v14 =	vmul.f32 $1.500000000e+02, v14;
	v22 =	vmul.f32 $7.650000000e+01, v16;
	v19 =	vadd.s32 $0x8000, v12;
	[tilespmem:v11+s19+$0x0] =	vst.idx.add.f32.msk $0xffff, v2  }
0x99: {  	v33 =	vmul.f32 $7.650000000e+01, v15;
	v16 =	vadd.s32 $0x8000, v28;
	v28 =	vmul.f32 $1.500000000e+02, v10;
	[tilespmem:v20+s19+$0x0] =	vst.idx.add.f32.msk $0xffff, v2  }
0x9a: {  	v24 =	vmul.f32 $1.500000000e+02, v24;
	v10 =	vmul.f32 $7.650000000e+01, v23;
	v15 =	vadd.s32 $0x8000, v29;
	[tilespmem:v13+s19+$0x0] =	vst.idx.add.f32.msk $0xffff, v2  }
0x9b: {  	v12 =	vmul.f32 $1.500000000e+02, v25;
	v23 =	vadd.s32 $0x8000, v30;
	v11 =	vmul.f32 $7.650000000e+01, v26;
	[tilespmem:v7+s19+$0x0] =	vst.idx.add.f32.msk $0xffff, v2  }
.Ltmp1:
0x9c: {  	v25 =	vadd.s32 $0x8000, v31;
	v13 =	vmul.f32 $1.500000000e+02, v21;
	v7 =	vmul.f32 $7.650000000e+01, v27;
	[tilespmem:v8+s19+$0x0] =	vst.idx.add.f32.msk $0xffff, v2;
	(pc) =	sbr.rel @p1 .LBB2_5-.Ltmp1, $4  }
0x9d: {  	v19 =	vand.u32 $0xFFFF0000, v19;
	v21 =	vadd.s32 $0x8000, v32;
	v8 =	vmul.f32 $1.500000000e+02, v17;
	[tilespmem:v9+s19+$0x0] =	vst.idx.add.f32.msk $0xffff, v2  }
0x9e: {  	v20 =	vand.u32 $0xFFFF0000, v16;
	v17 =	vand.u32 $0xFFFF0000, v15;
	v15 =	vand.u32 $0xFFFF0000, v23  }
0x9f: {  	v16 =	vadd.f32 v14, v18;
	v14 =	vand.u32 $0xFFFF0000, v25;
	v9 =	vand.u32 $0xFFFF0000, v21  }
0xa0: {  	s31 =	sadd.s32 $0x80, s31;
	v18 =	vadd.f32 v28, v22;
	v21 =	vmul.f32 $2.912500000e+01, v19;
	v19 =	vadd.f32 v24, v33  }
0xa1: {  	v20 =	vmul.f32 $2.912500000e+01, v20;
	v17 =	vmul.f32 $2.912500000e+01, v17  }
0xa2: {  	v10 =	vadd.f32 v12, v10;
	v11 =	vadd.f32 v13, v11;
	v13 =	vmul.f32 $2.912500000e+01, v15  }
0xa3: {  	v7 =	vadd.f32 v8, v7;
	v8 =	vmul.f32 $2.912500000e+01, v14;
	v16 =	vadd.f32 v21, v16  }
0xa4: {  	v9 =	vmul.f32 $2.912500000e+01, v9;
	v6 =	vadd.s32 v6, v3;
	v12 =	vadd.f32 v20, v18  }
0xa5: {  	v4 =	vadd.s32 v4, v3;
	v17 =	vadd.f32 v17, v19;
	v16 =	vadd.f32 $8.388607500e+06, v16  }
0xa6: {  	v5 =	vadd.s32 v5, v3;
	v8 =	vadd.f32 v8, v11;
	v12 =	vadd.f32 $8.388607500e+06, v12  }
0xa7: {  	v10 =	vadd.f32 v13, v10;
	v15 =	vadd.f32 $8.388607500e+06, v17;
	v16 =	vadd.s32 v16, v3  }
0xa8: {  	p1 =	seq.s32 s25, $0xF;
	v7 =	vadd.f32 v9, v7;
	v8 =	vadd.f32 $8.388607500e+06, v8;
	v12 =	vadd.s32 v12, v3  }
0xa9: {  	p2 =	sgt.u32 @!p1 s25, $0x6;
	v9 =	vadd.f32 $8.388607500e+06, v10;
	[tilespmem:v6+s19+$0x0] =	vst.idx.add.f32.msk $0xffff, v2;
	v13 =	vadd.s32 v15, v3  }
0xaa: {  	s28 =	simm.s32 @!p1 $0x3FFF0;
	p2 =	por !p2, p1;
	v7 =	vadd.f32 $8.388607500e+06, v7;
	[tilespmem:v4+s19+$0x0] =	vst.idx.add.f32.msk $0xffff, v2;
	v8 =	vadd.s32 v8, v3  }
0xab: {  	s29 =	simm.s32 @!p1 $0xC0000;
	s28 =	simm.s32 @p2 $0x0;
	v9 =	vadd.s32 v9, v3;
	[tilespmem:v5+s19+$0x0] =	vst.idx.add.f32.msk $0xffff, v2  }
0xac: {  	s29 =	simm.s32 @p2 $0x0;
	s26 =	sadd.s32 @!p1 s28, s26;
	v3 =	vadd.s32 v7, v3;
	[tilespmem:v16+s19+$0x0] =	vst.idx.add.f32.msk $0xffff, v2  }
0xad: {  	s28 =	sadd.s32 @!p1 s4, s29;
	s26 =	sshll.u32 @!p1 s26, $0xE;
	[tilespmem:v12+s19+$0x0] =	vst.idx.add.f32.msk $0xffff, v2  }
0xae: {  	s26 =	sadd.s32 @!p1 s28, s26;
	[tilespmem:v13+s19+$0x0] =	vst.idx.add.f32.msk $0xffff, v2  }
0xaf: {  	s28 =	sadd.s32 @!p1 $0x8000, s26;
	[tilespmem:v8+s19+$0x0] =	vst.idx.add.f32.msk $0xffff, v2  }
0xb0: {  	s28 =	sshrl.u32 @!p1 s28, $0x3;
	[tilespmem:v9+s19+$0x0] =	vst.idx.add.f32.msk $0xffff, v2  }
0xb1: {  	s29 =	simm.s32 @!p1 $0x0;
	s28 =	sadd.s32 @!p1 s2, s28;
	[tilespmem:v3+s19+$0x0] =	vst.idx.add.f32.msk $0xffff, v2  }
0xb2: {  	[tilespmem:s29], [sflag:$0x1] =	stream.linear.gather @!p1 [hbm4b:s28+s29], $0x4000, $0x38;
	[tilespmem:$0x1A100] =	vst v63  }
0xb3: {  	s28 =	sadd.s32 @!p1 $0x48000, s26  }
0xb4: {  	s26 =	sadd.s32 @!p1 $0x88000, s26;
	s28 =	sshrl.u32 @!p1 s28, $0x3  }
0xb5: {  	s30 =	simm.s32 @!p1 $0x4000;
	s26 =	sshrl.u32 @!p1 s26, $0x3;
	s28 =	sadd.s32 @!p1 s2, s28  }
0xb6: {  	[tilespmem:s30], [sflag:$0x1] =	stream.linear.gather @!p1 [hbm4b:s28+s29], $0x4000, $0x38;
	[tilespmem:$0x1A100] =	vst v63  }
0xb7: {  	s26 =	sadd.s32 @!p1 s2, s26;
	s28 =	simm.s32 @!p1 $0x8000  }
0xb8: {  	[tilespmem:s28], [sflag:$0x1] =	stream.linear.gather @!p1 [hbm4b:s26+s29], $0x4000, $0x38;
	[tilespmem:$0x1A100] =	vst v63  }
0xb9: {  	_ =	swait.ge [sflag:s20], $0x4000  }
0xba: {  	[sflag:s20] =	ssyncset.done $0x0  }
0xbb: {  	[sflag:s20] =	ssyncadd.s32 $0xFFFFC000  }
0xbc: {  	_ =	swait.ge [sflag:s20], $0x4000  }
0xbd: {  	[sflag:s20] =	ssyncset.done $0x0  }
0xbe: {  	[sflag:s20] =	ssyncadd.s32 $0xFFFFC000  }
0xbf: {  	_ =	swait.ge [sflag:s20], $0x4000  }
0xc0: {  	[sflag:s20] =	ssyncset.done $0x0  }
0xc1: {  	s31 =	simm.s32 $0x14040;
	[sflag:s20] =	ssyncadd.s32 $0xFFFFC000  }
0xc2: {  	v3 =	vld [tilespmem:s31+$0x20]  }
0xc3: {  	s28 =	simm.s32 $0xC040;
	v4 =	vld [tilespmem:s31+$0x30]  }
0xc4: {  	v5 =	vld [tilespmem:s28+$0x20]  }
0xc5: {  	s29 =	simm.s32 $0x10040;
	v6 =	vld [tilespmem:s28+$0x30]  }
0xc6: {  	v7 =	vld [tilespmem:s29+$0x20]  }
0xc7: {  	v8 =	vld [tilespmem:s29+$0x30]  }
0xc8: {  	v9 =	vld [tilespmem:s28+$0xFFFFFFD0]  }
0xc9: {  	v10 =	vld [tilespmem:s29+$0xFFFFFFC0]  }
0xca: {  	v11 =	vld [tilespmem:s29+$0xFFFFFFD0]  }
0xcb: {  	v12 =	vld [tilespmem:s28+$0xFFFFFFE0]  }
0xcc: {  	v13 =	vld [tilespmem:s28+$0xFFFFFFF0]  }
0xcd: {  	v18 =	vld [tilespmem:s31+$0xFFFFFFD0]  }
0xce: {  	v19 =	vld [tilespmem:s31+$0xFFFFFFE0]  }
0xcf: {  	v20 =	vld [tilespmem:s31+$0xFFFFFFF0]  }
0xd0: {  	v21 =	vld [tilespmem:s31+$0x0]  }
0xd1: {  	s26 =	simm.s32 $0xC0C0;
	v22 =	vld [tilespmem:s31+$0x10]  }
0xd2: {  	v25 =	vld [tilespmem:s26+$0x0]  }
0xd3: {  	v26 =	vld [tilespmem:s26+$0x10];
	v5 =	vadd.s32 $0x8000, v5;
	v3 =	vadd.s32 $0x8000, v3;
	v4 =	vadd.s32 $0x8000, v4  }
0xd4: {  	v6 =	vadd.s32 $0x8000, v6;
	v7 =	vadd.s32 $0x8000, v7;
	v8 =	vadd.s32 $0x8000, v8  }
0xd5: {  	v9 =	vadd.s32 $0x8000, v9;
	v10 =	vadd.s32 $0x8000, v10;
	v11 =	vadd.s32 $0x8000, v11  }
0xd6: {  	v12 =	vadd.s32 $0x8000, v12;
	v13 =	vadd.s32 $0x8000, v13;
	v18 =	vadd.s32 $0x8000, v18  }
0xd7: {  	v19 =	vadd.s32 $0x8000, v19;
	v20 =	vadd.s32 $0x8000, v20;
	v21 =	vadd.s32 $0x8000, v21  }
0xd8: {  	v22 =	vadd.s32 $0x8000, v22;
	v60 =	vadd.s32 $0x8000, v25;
	v61 =	vadd.s32 $0x8000, v26  }
0xd9: {  	v5 =	vand.u32 $0xFFFF0000, v5;
	v6 =	vand.u32 $0xFFFF0000, v6;
	v7 =	vand.u32 $0xFFFF0000, v7  }
0xda: {  	v8 =	vand.u32 $0xFFFF0000, v8;
	v3 =	vand.u32 $0xFFFF0000, v3;
	v4 =	vand.u32 $0xFFFF0000, v4  }
0xdb: {  	v9 =	vand.u32 $0xFFFF0000, v9;
	v10 =	vand.u32 $0xFFFF0000, v10;
	v11 =	vand.u32 $0xFFFF0000, v11  }
0xdc: {  	v12 =	vand.u32 $0xFFFF0000, v12;
	v13 =	vand.u32 $0xFFFF0000, v13;
	v18 =	vand.u32 $0xFFFF0000, v18  }
0xdd: {  	v14 =	vld [tilespmem:s29+$0xFFFFFFE0];
	v19 =	vand.u32 $0xFFFF0000, v19;
	v5 =	vmul.f32 $7.650000000e+01, v5;
	v7 =	vmul.f32 $1.500000000e+02, v7  }
0xde: {  	v15 =	vld [tilespmem:s29+$0xFFFFFFF0];
	v20 =	vand.u32 $0xFFFF0000, v20;
	v6 =	vmul.f32 $7.650000000e+01, v6;
	v8 =	vmul.f32 $1.500000000e+02, v8  }
0xdf: {  	v16 =	vld [tilespmem:s28+$0x0];
	v25 =	vand.u32 $0xFFFF0000, v61;
	v3 =	vmul.f32 $2.912500000e+01, v3;
	v4 =	vmul.f32 $2.912500000e+01, v4  }
0xe0: {  	v17 =	vld [tilespmem:s28+$0x10];
	v9 =	vmul.f32 $7.650000000e+01, v9;
	v11 =	vmul.f32 $1.500000000e+02, v11;
	v5 =	vadd.f32 v7, v5  }
0xe1: {  	v10 =	vmul.f32 $1.500000000e+02, v10;
	v12 =	vmul.f32 $7.650000000e+01, v12;
	v7 =	vld [tilespmem:s29+$0x0];
	v6 =	vadd.f32 v8, v6  }
0xe2: {  	v13 =	vmul.f32 $7.650000000e+01, v13;
	v8 =	vld [tilespmem:s29+$0x10];
	v9 =	vadd.f32 v11, v9;
	s29 =	simm.s32 $0x140C0;
	v3 =	vadd.f32 v3, v5  }
0xe3: {  	v11 =	vld [tilespmem:s29+$0x20];
	v4 =	vadd.f32 v4, v6;
	v6 =	vadd.s32 $0x8000, v14;
	v14 =	vadd.s32 $0x8000, v15  }
0xe4: {  	v27 =	vld [tilespmem:s29+$0xFFFFFFD0];
	v6 =	vand.u32 $0xFFFF0000, v6;
	v14 =	vand.u32 $0xFFFF0000, v14;
	v15 =	vadd.f32 $8.388607500e+06, v3  }
0xe5: {  	v28 =	vld [tilespmem:s29+$0xFFFFFFE0];
	v3 =	vadd.s32 $0x8000, v16;
	v16 =	vadd.s32 $0x8000, v17;
	v4 =	vadd.f32 $8.388607500e+06, v4  }
0xe6: {  	v32 =	vld [tilespmem:s29+$0x10];
	v6 =	vmul.f32 $1.500000000e+02, v6;
	v14 =	vmul.f32 $1.500000000e+02, v14;
	v7 =	vadd.s32 $0x8000, v7  }
0xe7: {  	v5 =	vld [tilespmem:s28+$0xFFFFFFC0];
	v8 =	vadd.s32 $0x8000, v8;
	v3 =	vand.u32 $0xFFFF0000, v3;
	v16 =	vand.u32 $0xFFFF0000, v16  }
0xe8: {  	v7 =	vand.u32 $0xFFFF0000, v7;
	v8 =	vand.u32 $0xFFFF0000, v8;
	v3 =	vmul.f32 $7.650000000e+01, v3  }
0xe9: {  	v16 =	vmul.f32 $7.650000000e+01, v16;
	v6 =	vadd.f32 v6, v12;
	v12 =	vmul.f32 $2.912500000e+01, v18  }
0xea: {  	v17 =	vld [tilespmem:s31+$0xFFFFFFC0];
	v13 =	vadd.f32 v14, v13;
	v18 =	vmul.f32 $2.912500000e+01, v20;
	v11 =	vadd.s32 $0x8000, v11  }
0xeb: {  	v27 =	vadd.s32 $0x8000, v27;
	v28 =	vadd.s32 $0x8000, v28;
	v63 =	vadd.s32 $0x8000, v32  }
0xec: {  	v5 =	vadd.s32 $0x8000, v5;
	v7 =	vmul.f32 $1.500000000e+02, v7;
	v8 =	vmul.f32 $1.500000000e+02, v8  }
0xed: {  	v11 =	vand.u32 $0xFFFF0000, v11;
	v5 =	vand.u32 $0xFFFF0000, v5;
	v9 =	vadd.f32 v12, v9  }
0xee: {  	v14 =	vld [tilespmem:s29+$0x30];
	v13 =	vadd.f32 v18, v13;
	v11 =	vmul.f32 $2.912500000e+01, v11;
	v5 =	vmul.f32 $7.650000000e+01, v5  }
0xef: {  	s28 =	simm.s32 $0x100C0;
	v17 =	vadd.s32 $0x8000, v17;
	v7 =	vadd.f32 v7, v3;
	v3 =	vmul.f32 $2.912500000e+01, v19  }
0xf0: {  	s30 =	simm.s32 $0x1000;
	v12 =	vld [tilespmem:s28+$0x20];
	v8 =	vadd.f32 v8, v16;
	v17 =	vand.u32 $0xFFFF0000, v17;
	v9 =	vadd.f32 $8.388607500e+06, v9  }
0xf1: {  	s30 =	simm.s32 @!p0 $0x0;
	v16 =	vld [tilespmem:s26+$0x20];
	v5 =	vadd.f32 v10, v5;
	v10 =	vand.u32 $0xFFFF0000, v21;
	v21 =	vand.u32 $0xFFFF0000, v22  }
0xf2: {  	v19 =	vld [tilespmem:s26+$0x30];
	v17 =	vmul.f32 $2.912500000e+01, v17;
	v6 =	vadd.f32 v3, v6;
	v3 =	vor.u32 s30, v1  }
0xf3: {  	v14 =	vadd.s32 $0x8000, v14;
	v10 =	vmul.f32 $2.912500000e+01, v10;
	v9 =	vadd.s32 v9, v3  }
0xf4: {  	v30 =	vld [tilespmem:s29+$0x0];
	v14 =	vand.u32 $0xFFFF0000, v14;
	v5 =	vadd.f32 v17, v5;
	v17 =	vmul.f32 $2.912500000e+01, v21  }
0xf5: {  	v24 =	vld [tilespmem:s28+$0xFFFFFFF0];
	v20 =	vadd.f32 $8.388607500e+06, v6;
	v6 =	vadd.f32 $8.388607500e+06, v13;
	v12 =	vadd.s32 $0x8000, v12  }
0xf6: {  	v18 =	vld [tilespmem:s26+$0xFFFFFFD0];
	v14 =	vmul.f32 $2.912500000e+01, v14;
	v7 =	vadd.f32 v10, v7;
	v10 =	vadd.s32 v15, v3  }
0xf7: {  	v15 =	vld [tilespmem:s28+$0x30];
	v13 =	vadd.s32 $0x8000, v16;
	v19 =	vadd.s32 $0x8000, v19;
	v12 =	vand.u32 $0xFFFF0000, v12  }
0xf8: {  	v16 =	vld [tilespmem:s26+$0xFFFFFFF0];
	v5 =	vadd.f32 $8.388607500e+06, v5;
	v8 =	vadd.f32 v17, v8;
	v17 =	vadd.s32 v4, v3  }
0xf9: {  	v21 =	vld [tilespmem:s28+$0xFFFFFFC0];
	v23 =	vadd.s32 v20, v3;
	v13 =	vand.u32 $0xFFFF0000, v13;
	v19 =	vand.u32 $0xFFFF0000, v19  }
0xfa: {  	v12 =	vmul.f32 $1.500000000e+02, v12;
	v4 =	vadd.f32 $8.388607500e+06, v7;
	v7 =	vld [tilespmem:s28+$0xFFFFFFD0];
	v13 =	vmul.f32 $7.650000000e+01, v13  }
0xfb: {  	v19 =	vmul.f32 $7.650000000e+01, v19;
	v22 =	vadd.s32 v5, v3;
	v5 =	vadd.f32 $8.388607500e+06, v8;
	v8 =	vld [tilespmem:s26+$0xFFFFFFE0]  }
0xfc: {  	v20 =	vld [tilespmem:s28+$0xFFFFFFE0];
	v12 =	vadd.f32 v12, v13;
	v13 =	vadd.s32 $0x8000, v18;
	v15 =	vadd.s32 $0x8000, v15  }
0xfd: {  	v18 =	vld [tilespmem:s28+$0x0];
	v16 =	vadd.s32 $0x8000, v16;
	v13 =	vand.u32 $0xFFFF0000, v13;
	v15 =	vand.u32 $0xFFFF0000, v15  }
0xfe: {  	[tilespmem:v10+s19+$0x0] =	vst.idx.add.f32.msk $0xffff, v2;
	v11 =	vadd.f32 v11, v12;
	v16 =	vand.u32 $0xFFFF0000, v16;
	v34 =	vmul.f32 $7.650000000e+01, v13  }
0xff: {  	[tilespmem:v17+s19+$0x0] =	vst.idx.add.f32.msk $0xffff, v2;
	v17 =	vand.u32 $0xFFFF0000, v28;
	v15 =	vmul.f32 $1.500000000e+02, v15;
	v7 =	vadd.s32 $0x8000, v7  }
0x100: {  	v12 =	vld [tilespmem:s26+$0xFFFFFFC0];
	v10 =	vmul.f32 $7.650000000e+01, v16;
	v8 =	vadd.s32 $0x8000, v8;
	v11 =	vadd.f32 $8.388607500e+06, v11  }
0x101: {  	v7 =	vand.u32 $0xFFFF0000, v7;
	[tilespmem:v22+s19+$0x0] =	vst.idx.add.f32.msk $0xffff, v2;
	v22 =	vadd.s32 $0x8000, v30;
	v15 =	vadd.f32 v15, v19  }
0x102: {  	v19 =	vadd.s32 $0x8000, v21;
	v18 =	vadd.s32 $0x8000, v18;
	v8 =	vand.u32 $0xFFFF0000, v8  }
0x103: {  	v35 =	vmul.f32 $1.500000000e+02, v7;
	v7 =	vmul.f32 $7.650000000e+01, v25;
	[tilespmem:v9+s19+$0x0] =	vst.idx.add.f32.msk $0xffff, v2;
	v9 =	vand.u32 $0xFFFF0000, v63  }
0x104: {  	v29 =	vld [tilespmem:s29+$0xFFFFFFF0];
	v62 =	vadd.s32 v11, v3;
	v19 =	vand.u32 $0xFFFF0000, v19;
	v18 =	vand.u32 $0xFFFF0000, v18  }
0x105: {  	v21 =	vld [tilespmem:s28+$0x10];
	v36 =	vmul.f32 $7.650000000e+01, v8;
	v14 =	vadd.f32 v14, v15;
	v15 =	vadd.s32 $0x8000, v20  }
0x106: {  	v20 =	vadd.s32 $0x8000, v24;
	v12 =	vadd.s32 $0x8000, v12;
	v24 =	vand.u32 $0xFFFF0000, v60  }
0x107: {  	v11 =	vld [tilespmem:s29+$0xFFFFFFC0];
	v19 =	vmul.f32 $1.500000000e+02, v19;
	v13 =	vmul.f32 $1.500000000e+02, v18;
	v14 =	vadd.f32 $8.388607500e+06, v14  }
0x108: {  	v12 =	vand.u32 $0xFFFF0000, v12;
	v15 =	vand.u32 $0xFFFF0000, v15;
	v20 =	vand.u32 $0xFFFF0000, v20  }
0x109: {  	v31 =	vmul.f32 $7.650000000e+01, v12;
	v37 =	vmul.f32 $1.500000000e+02, v15;
	v14 =	vadd.s32 v14, v3  }
0x10a: {  	v15 =	vadd.s32 $0x8000, v29;
	v12 =	vmul.f32 $1.500000000e+02, v20;
	v21 =	vadd.s32 $0x8000, v21  }
0x10b: {  	v20 =	vand.u32 $0xFFFF0000, v27;
	v15 =	vand.u32 $0xFFFF0000, v15;
	v21 =	vand.u32 $0xFFFF0000, v21  }
0x10c: {  	[tilespmem:v23+s19+$0x0] =	vst.idx.add.f32.msk $0xffff, v2;
	v33 =	vadd.s32 $0x8000, v11;
	v11 =	vmul.f32 $7.650000000e+01, v24;
	v16 =	vadd.f32 v19, v31  }
0x10d: {  	[tilespmem:v62+s19+$0x0] =	vst.idx.add.f32.msk $0xffff, v2;
	v19 =	vadd.f32 v37, v36;
	v18 =	vand.u32 $0xFFFF0000, v33;
	v8 =	vmul.f32 $1.500000000e+02, v21  }
0x10e: {  	s30 =	simm.s32 $0x14140;
	s29 =	simm.s32 $0x80;
	v21 =	vmul.f32 $2.912500000e+01, v18;
	v18 =	vadd.f32 v35, v34;
	[tilespmem:v14+s19+$0x0] =	vst.idx.add.f32.msk $0xffff, v2;
	v14 =	vand.u32 $0xFFFF0000, v22  }
.LBB2_7:
0x10f: {  	v22 =	vld [tilespmem:s30+$0x20];
	v20 =	vmul.f32 $2.912500000e+01, v20;
	v10 =	vadd.f32 v12, v10;
	v11 =	vadd.f32 v13, v11  }
0x110: {  	v13 =	vmul.f32 $2.912500000e+01, v17;
	v15 =	vmul.f32 $2.912500000e+01, v15;
	v17 =	vadd.f32 v8, v7;
	s26 =	sadd.s32 $0x80, s26;
	v12 =	vld [tilespmem:s30+$0x30]  }
0x111: {  	v8 =	vmul.f32 $2.912500000e+01, v14;
	v9 =	vmul.f32 $2.912500000e+01, v9;
	v16 =	vadd.f32 v21, v16;
	v23 =	vld [tilespmem:s26+$0x20]  }
0x112: {  	s28 =	sadd.s32 $0x80, s28;
	v7 =	vadd.s32 v6, v3;
	v18 =	vadd.f32 v20, v18;
	v13 =	vadd.f32 v13, v19;
	v14 =	vld [tilespmem:s26+$0x30]  }
0x113: {  	v6 =	vadd.f32 v15, v10;
	v10 =	vadd.f32 v8, v11;
	v8 =	vadd.s32 v4, v3;
	v19 =	vld [tilespmem:s28+$0x20]  }
0x114: {  	v15 =	vadd.f32 v9, v17;
	v9 =	vadd.s32 v5, v3;
	v4 =	vadd.f32 $8.388607500e+06, v16;
	v11 =	vld [tilespmem:s28+$0x30]  }
0x115: {  	s29 =	sadd.s32 $0x80, s29;
	v5 =	vadd.f32 $8.388607500e+06, v18;
	v13 =	vadd.f32 $8.388607500e+06, v13;
	v16 =	vld [tilespmem:s26+$0xFFFFFFD0]  }
0x116: {  	p0 =	slt.u32 s29, $0x3F80;
	v6 =	vadd.f32 $8.388607500e+06, v6;
	v18 =	vadd.s32 v4, v3;
	v4 =	vadd.f32 $8.388607500e+06, v10;
	v17 =	vld [tilespmem:s28+$0xFFFFFFC0]  }
0x117: {  	v20 =	vadd.s32 v5, v3;
	v13 =	vadd.s32 v13, v3;
	v5 =	vadd.f32 $8.388607500e+06, v15;
	v10 =	vld [tilespmem:s28+$0xFFFFFFD0]  }
0x118: {  	v22 =	vadd.s32 $0x8000, v22;
	v12 =	vadd.s32 $0x8000, v12;
	v21 =	vadd.s32 $0x8000, v23;
	v15 =	vld [tilespmem:s26+$0xFFFFFFE0]  }
0x119: {  	v14 =	vadd.s32 $0x8000, v14;
	v19 =	vadd.s32 $0x8000, v19;
	v23 =	vld [tilespmem:s26+$0xFFFFFFF0];
	v11 =	vadd.s32 $0x8000, v11  }
0x11a: {  	v21 =	vand.u32 $0xFFFF0000, v21;
	v14 =	vand.u32 $0xFFFF0000, v14;
	v19 =	vand.u32 $0xFFFF0000, v19;
	v24 =	vld [tilespmem:s28+$0xFFFFFFE0]  }
0x11b: {  	v21 =	vmul.f32 $7.650000000e+01, v21;
	v11 =	vand.u32 $0xFFFF0000, v11;
	v19 =	vmul.f32 $1.500000000e+02, v19;
	v25 =	vld [tilespmem:s28+$0xFFFFFFF0]  }
0x11c: {  	v22 =	vand.u32 $0xFFFF0000, v22;
	v14 =	vmul.f32 $7.650000000e+01, v14;
	v11 =	vmul.f32 $1.500000000e+02, v11;
	v26 =	vld [tilespmem:s26+$0x0]  }
0x11d: {  	v12 =	vand.u32 $0xFFFF0000, v12;
	v19 =	vadd.f32 v19, v21;
	v21 =	vmul.f32 $2.912500000e+01, v22;
	v27 =	vld [tilespmem:s26+$0x10]  }
0x11e: {  	v12 =	vmul.f32 $2.912500000e+01, v12;
	v16 =	vadd.s32 $0x8000, v16;
	v11 =	vadd.f32 v11, v14;
	v22 =	vld [tilespmem:s28+$0x0]  }
0x11f: {  	v10 =	vadd.s32 $0x8000, v10;
	v14 =	vadd.s32 $0x8000, v17;
	v19 =	vadd.f32 v21, v19;
	v17 =	vld [tilespmem:s28+$0x10]  }
0x120: {  	v15 =	vadd.s32 $0x8000, v15;
	v23 =	vadd.s32 $0x8000, v23;
	v11 =	vadd.f32 v12, v11;
	v21 =	vld [tilespmem:s26+$0xFFFFFFC0]  }
0x121: {  	v24 =	vadd.s32 $0x8000, v24;
	v25 =	vadd.s32 $0x8000, v25;
	v19 =	vadd.f32 $8.388607500e+06, v19;
	v12 =	vld [tilespmem:s30+$0xFFFFFFC0]  }
0x122: {  	v26 =	vadd.s32 $0x8000, v26;
	v11 =	vadd.f32 $8.388607500e+06, v11;
	v28 =	vld [tilespmem:s30+$0xFFFFFFD0];
	v27 =	vadd.s32 $0x8000, v27  }
0x123: {  	v16 =	vand.u32 $0xFFFF0000, v16;
	v19 =	vadd.s32 v19, v3;
	v29 =	vld [tilespmem:s30+$0xFFFFFFE0];
	v22 =	vadd.s32 $0x8000, v22  }
0x124: {  	v14 =	vand.u32 $0xFFFF0000, v14;
	v11 =	vadd.s32 v11, v3;
	v30 =	vld [tilespmem:s30+$0xFFFFFFF0];
	v17 =	vadd.s32 $0x8000, v17  }
0x125: {  	v10 =	vand.u32 $0xFFFF0000, v10;
	v15 =	vand.u32 $0xFFFF0000, v15;
	v21 =	vadd.s32 $0x8000, v21;
	v31 =	vld [tilespmem:s30+$0x0]  }
0x126: {  	v23 =	vand.u32 $0xFFFF0000, v23;
	v24 =	vand.u32 $0xFFFF0000, v24;
	v21 =	vand.u32 $0xFFFF0000, v21;
	v32 =	vld [tilespmem:s30+$0x10]  }
0x127: {  	v25 =	vand.u32 $0xFFFF0000, v25;
	v26 =	vand.u32 $0xFFFF0000, v26;
	v27 =	vand.u32 $0xFFFF0000, v27;
	[tilespmem:v18+s19+$0x0] =	vst.idx.add.f32.msk $0xffff, v2  }
0x128: {  	v17 =	vand.u32 $0xFFFF0000, v17;
	v18 =	vmul.f32 $7.650000000e+01, v21;
	v21 =	vand.u32 $0xFFFF0000, v22;
	[tilespmem:v19+s19+$0x0] =	vst.idx.add.f32.msk $0xffff, v2  }
0x129: {  	v14 =	vmul.f32 $1.500000000e+02, v14;
	v22 =	vmul.f32 $7.650000000e+01, v16;
	v19 =	vadd.s32 $0x8000, v12;
	[tilespmem:v11+s19+$0x0] =	vst.idx.add.f32.msk $0xffff, v2  }
0x12a: {  	v33 =	vmul.f32 $7.650000000e+01, v15;
	v16 =	vadd.s32 $0x8000, v28;
	v28 =	vmul.f32 $1.500000000e+02, v10;
	[tilespmem:v20+s19+$0x0] =	vst.idx.add.f32.msk $0xffff, v2  }
0x12b: {  	v24 =	vmul.f32 $1.500000000e+02, v24;
	v10 =	vmul.f32 $7.650000000e+01, v23;
	v15 =	vadd.s32 $0x8000, v29;
	[tilespmem:v13+s19+$0x0] =	vst.idx.add.f32.msk $0xffff, v2  }
0x12c: {  	v12 =	vmul.f32 $1.500000000e+02, v25;
	v23 =	vadd.s32 $0x8000, v30;
	v11 =	vmul.f32 $7.650000000e+01, v26;
	[tilespmem:v7+s19+$0x0] =	vst.idx.add.f32.msk $0xffff, v2  }
.Ltmp2:
0x12d: {  	v25 =	vadd.s32 $0x8000, v31;
	v13 =	vmul.f32 $1.500000000e+02, v21;
	v7 =	vmul.f32 $7.650000000e+01, v27;
	[tilespmem:v8+s19+$0x0] =	vst.idx.add.f32.msk $0xffff, v2;
	(pc) =	sbr.rel @p0 .LBB2_7-.Ltmp2, $4  }
0x12e: {  	v19 =	vand.u32 $0xFFFF0000, v19;
	v21 =	vadd.s32 $0x8000, v32;
	v8 =	vmul.f32 $1.500000000e+02, v17;
	[tilespmem:v9+s19+$0x0] =	vst.idx.add.f32.msk $0xffff, v2  }
0x12f: {  	v20 =	vand.u32 $0xFFFF0000, v16;
	v17 =	vand.u32 $0xFFFF0000, v15;
	v15 =	vand.u32 $0xFFFF0000, v23  }
0x130: {  	v16 =	vadd.f32 v14, v18;
	v14 =	vand.u32 $0xFFFF0000, v25;
	v9 =	vand.u32 $0xFFFF0000, v21  }
0x131: {  	s30 =	sadd.s32 $0x80, s30;
	v18 =	vadd.f32 v28, v22;
	v21 =	vmul.f32 $2.912500000e+01, v19;
	v19 =	vadd.f32 v24, v33  }
0x132: {  	v20 =	vmul.f32 $2.912500000e+01, v20;
	v17 =	vmul.f32 $2.912500000e+01, v17  }
0x133: {  	v10 =	vadd.f32 v12, v10;
	v11 =	vadd.f32 v13, v11;
	v59 =	vmul.f32 $2.912500000e+01, v15  }
0x134: {  	v7 =	vadd.f32 v8, v7;
	v61 =	vmul.f32 $2.912500000e+01, v14;
	v16 =	vadd.f32 v21, v16  }
0x135: {  	v9 =	vmul.f32 $2.912500000e+01, v9;
	v6 =	vadd.s32 v6, v3;
	v58 =	vadd.f32 v20, v18  }
0x136: {  	v4 =	vadd.s32 v4, v3;
	v17 =	vadd.f32 v17, v19;
	v16 =	vadd.f32 $8.388607500e+06, v16  }
0x137: {  	v5 =	vadd.s32 v5, v3;
	v8 =	vadd.f32 v61, v11;
	v12 =	vadd.f32 $8.388607500e+06, v58  }
0x138: {  	v10 =	vadd.f32 v59, v10;
	v60 =	vadd.f32 $8.388607500e+06, v17;
	v16 =	vadd.s32 v16, v3  }
0x139: {  	v7 =	vadd.f32 v9, v7;
	v8 =	vadd.f32 $8.388607500e+06, v8;
	v12 =	vadd.s32 v12, v3  }
0x13a: {  	v63 =	vadd.f32 $8.388607500e+06, v10;
	[tilespmem:v6+s19+$0x0] =	vst.idx.add.f32.msk $0xffff, v2;
	v62 =	vadd.s32 v60, v3  }
0x13b: {  	v7 =	vadd.f32 $8.388607500e+06, v7;
	[tilespmem:v4+s19+$0x0] =	vst.idx.add.f32.msk $0xffff, v2;
	v8 =	vadd.s32 v8, v3  }
0x13c: {  	s25 =	sadd.s32 $0x1, s25;
	v9 =	vadd.s32 v63, v3;
	[tilespmem:v5+s19+$0x0] =	vst.idx.add.f32.msk $0xffff, v2  }
0x13d: {  	p0 =	sne.s32 s25, $0x10;
	v3 =	vadd.s32 v7, v3;
	[tilespmem:v16+s19+$0x0] =	vst.idx.add.f32.msk $0xffff, v2  }
.Ltmp3:
0x13e: {  	[tilespmem:v12+s19+$0x0] =	vst.idx.add.f32.msk $0xffff, v2;
	(pc) =	sbr.rel @p0 .LBB2_4-.Ltmp3, $4  }
0x13f: {  	[tilespmem:v62+s19+$0x0] =	vst.idx.add.f32.msk $0xffff, v2  }
0x140: {  	[tilespmem:v8+s19+$0x0] =	vst.idx.add.f32.msk $0xffff, v2  }
0x141: {  	[tilespmem:v9+s19+$0x0] =	vst.idx.add.f32.msk $0xffff, v2  }
0x142: {  	[tilespmem:v3+s19+$0x0] =	vst.idx.add.f32.msk $0xffff, v2  }
0x143: {  	s25 =	simm.s32 $0x18000  }
0x144: {  	s26 =	simm.s32 $0x0;
	v3 =	vld [tilespmem:s25+$0x0]  }
0x145: {  	s31 =	sand.u32 $0xF0, s26  }
0x146: {  	v4 =	vld [tilespmem:s31+$0x18100];
	_ =	sdelay $0x1  }
0x147: {  	v5 =	vld [tilespmem:s31+$0x18200]  }
0x148: {  	v3 =	vadd.f32 $0.0e+00, v3  }
0x149: {  	v6 =	vld [tilespmem:s31+$0x18300]  }
0x14a: {  	v3 =	vadd.f32 v4, v3  }
0x14b: {  	v4 =	vld [tilespmem:s31+$0x18400]  }
0x14c: {  	v3 =	vadd.f32 v5, v3  }
0x14d: {  	v5 =	vld [tilespmem:s31+$0x18500]  }
0x14e: {  	v3 =	vadd.f32 v6, v3  }
0x14f: {  	v60 =	vld [tilespmem:s31+$0x18600]  }
0x150: {  	v3 =	vadd.f32 v4, v3  }
0x151: {  	v4 =	vld [tilespmem:s31+$0x18700]  }
0x152: {  	v3 =	vadd.f32 v5, v3  }
0x153: {  	v5 =	vld [tilespmem:s31+$0x18800]  }
0x154: {  	v3 =	vadd.f32 v60, v3  }
0x155: {  	v61 =	vld [tilespmem:s31+$0x18900]  }
0x156: {  	v3 =	vadd.f32 v4, v3  }
0x157: {  	v4 =	vld [tilespmem:s31+$0x18A00]  }
0x158: {  	v3 =	vadd.f32 v5, v3  }
0x159: {  	v5 =	vld [tilespmem:s31+$0x18B00]  }
0x15a: {  	v3 =	vadd.f32 v61, v3  }
0x15b: {  	v62 =	vld [tilespmem:s31+$0x18C00]  }
0x15c: {  	v3 =	vadd.f32 v4, v3  }
0x15d: {  	v4 =	vld [tilespmem:s31+$0x18D00]  }
0x15e: {  	v3 =	vadd.f32 v5, v3  }
0x15f: {  	v5 =	vld [tilespmem:s31+$0x18E00]  }
0x160: {  	v3 =	vadd.f32 v62, v3  }
0x161: {  	v63 =	vld [tilespmem:s31+$0x18F00]  }
0x162: {  	v3 =	vadd.f32 v4, v3;
	_ =	sdelay $0x1  }
0x163: {  	v3 =	vadd.f32 v5, v3;
	_ =	sdelay $0x1  }
0x164: {  	v3 =	vadd.f32 v63, v3;
	_ =	sdelay $0x1  }
0x165: {  	v3 =	vmul.f32 $3.814697270e-06, v3  }
0x166: {  	s25 =	simm.s32 $0x1A000  }
0x167: {  	s26 =	simm.s32 $0x18010;
	[tilespmem:s25+$0x0] =	vst v3  }
0x168: {  	s28 =	simm.s32 $0x10;
	s29 =	simm.s32 $0x20;
	v3 =	vld [tilespmem:s26+$0x0]  }
.LBB2_10:
0x169: {  	p0 =	sne.s32 s29, $0xF0;
	s30 =	sand.u32 $0xF0, s28;
	s28 =	smov.u32 s29  }
0x16a: {  	v4 =	vld [tilespmem:s30+$0x18100];
	_ =	sdelay $0x1  }
0x16b: {  	v5 =	vld [tilespmem:s30+$0x18200]  }
0x16c: {  	v3 =	vadd.f32 $0.0e+00, v3  }
0x16d: {  	v6 =	vld [tilespmem:s30+$0x18300]  }
0x16e: {  	v3 =	vadd.f32 v4, v3  }
0x16f: {  	v4 =	vld [tilespmem:s30+$0x18400]  }
0x170: {  	v3 =	vadd.f32 v5, v3  }
0x171: {  	v5 =	vld [tilespmem:s30+$0x18500]  }
0x172: {  	v3 =	vadd.f32 v6, v3  }
0x173: {  	v6 =	vld [tilespmem:s30+$0x18600]  }
0x174: {  	v3 =	vadd.f32 v4, v3  }
0x175: {  	v4 =	vld [tilespmem:s30+$0x18700]  }
0x176: {  	v3 =	vadd.f32 v5, v3  }
0x177: {  	v5 =	vld [tilespmem:s30+$0x18800]  }
0x178: {  	v3 =	vadd.f32 v6, v3  }
0x179: {  	v6 =	vld [tilespmem:s30+$0x18900]  }
0x17a: {  	v3 =	vadd.f32 v4, v3  }
0x17b: {  	v4 =	vld [tilespmem:s30+$0x18A00]  }
0x17c: {  	v3 =	vadd.f32 v5, v3  }
0x17d: {  	v5 =	vld [tilespmem:s30+$0x18B00]  }
0x17e: {  	v3 =	vadd.f32 v6, v3  }
0x17f: {  	v6 =	vld [tilespmem:s30+$0x18C00]  }
0x180: {  	v3 =	vadd.f32 v4, v3  }
0x181: {  	v4 =	vld [tilespmem:s30+$0x18D00]  }
0x182: {  	v3 =	vadd.f32 v5, v3  }
0x183: {  	v5 =	vld [tilespmem:s30+$0x18E00]  }
0x184: {  	v3 =	vadd.f32 v6, v3  }
0x185: {  	v6 =	vld [tilespmem:s30+$0x18F00]  }
0x186: {  	v3 =	vadd.f32 v4, v3;
	_ =	sdelay $0x1  }
0x187: {  	v3 =	vadd.f32 v5, v3;
	_ =	sdelay $0x1  }
0x188: {  	v3 =	vadd.f32 v6, v3  }
.Ltmp4:
0x189: {  	(pc) =	sbr.rel @p0 .LBB2_10-.Ltmp4, $4  }
0x18a: {  	v3 =	vmul.f32 $3.814697270e-06, v3  }
0x18b: {  	s25 =	sadd.s32 $0x10, s25  }
0x18c: {  	s26 =	sadd.s32 $0x10, s26;
	[tilespmem:s25+$0x0] =	vst v3  }
0x18d: {  	s29 =	sadd.s32 $0x10, s29;
	v3 =	vld [tilespmem:s26+$0x0]  }
0x18e: {  	s26 =	sand.u32 $0xF0, s28  }
0x18f: {  	v4 =	vld [tilespmem:s26+$0x18100];
	_ =	sdelay $0x1  }
0x190: {  	v5 =	vld [tilespmem:s26+$0x18200]  }
0x191: {  	v3 =	vadd.f32 $0.0e+00, v3  }
0x192: {  	v6 =	vld [tilespmem:s26+$0x18300]  }
0x193: {  	v3 =	vadd.f32 v4, v3  }
0x194: {  	v37 =	vld [tilespmem:s26+$0x18400]  }
0x195: {  	v3 =	vadd.f32 v5, v3  }
0x196: {  	v38 =	vld [tilespmem:s26+$0x18500]  }
0x197: {  	v3 =	vadd.f32 v6, v3  }
0x198: {  	v39 =	vld [tilespmem:s26+$0x18600]  }
0x199: {  	v3 =	vadd.f32 v37, v3  }
0x19a: {  	v40 =	vld [tilespmem:s26+$0x18700]  }
0x19b: {  	v3 =	vadd.f32 v38, v3  }
0x19c: {  	v41 =	vld [tilespmem:s26+$0x18800]  }
0x19d: {  	v3 =	vadd.f32 v39, v3  }
0x19e: {  	v42 =	vld [tilespmem:s26+$0x18900]  }
0x19f: {  	v3 =	vadd.f32 v40, v3  }
0x1a0: {  	v43 =	vld [tilespmem:s26+$0x18A00]  }
0x1a1: {  	v3 =	vadd.f32 v41, v3  }
0x1a2: {  	v44 =	vld [tilespmem:s26+$0x18B00]  }
0x1a3: {  	v3 =	vadd.f32 v42, v3  }
0x1a4: {  	v45 =	vld [tilespmem:s26+$0x18C00]  }
0x1a5: {  	v3 =	vadd.f32 v43, v3  }
0x1a6: {  	v46 =	vld [tilespmem:s26+$0x18D00]  }
0x1a7: {  	v3 =	vadd.f32 v44, v3  }
0x1a8: {  	v47 =	vld [tilespmem:s26+$0x18E00]  }
0x1a9: {  	v3 =	vadd.f32 v45, v3  }
0x1aa: {  	v48 =	vld [tilespmem:s26+$0x18F00]  }
0x1ab: {  	v3 =	vadd.f32 v46, v3;
	_ =	sdelay $0x1  }
0x1ac: {  	v3 =	vadd.f32 v47, v3;
	_ =	sdelay $0x1  }
0x1ad: {  	v3 =	vadd.f32 v48, v3;
	_ =	sdelay $0x1  }
0x1ae: {  	v3 =	vmul.f32 $3.814697270e-06, v3  }
0x1af: {  	s25 =	sadd.s32 $0x10, s25  }
0x1b0: {  	s30 =	simm.s32 $0x0;
	[tilespmem:s25+$0x0] =	vst v3;
	s25 =	simm.s32 $0x1A000  }
0x1b1: {  	[hbm4b:s8+s30] =	stream.linear.scatter [tilespmem:s25], [sflag:$0x3], $0x80, $0x38;
	[tilespmem:$0x1A100] =	vst v63  }
0x1b2: {  	_ =	swait.ge [sflag:s21], $0x80  }
0x1b3: {  	[sflag:s21] =	ssyncset.done $0x0  }
0x1b4: {  	[sflag:s21] =	ssyncadd.s32 $0xFFFFFF80  }
0x1b5: {  	[hbm4b:s9+s30] =	stream.linear.scatter [tilespmem:s22], [sflag:$0x3], $0x80, $0x38;
	[tilespmem:$0x1A100] =	vst v63  }
0x1b6: {  	_ =	swait.ge [sflag:s21], $0x80  }
0x1b7: {  	[sflag:s21] =	ssyncset.done $0x0  }
0x1b8: {  	s26 =	sand.u32 $0xF0, s30;
	[sflag:s21] =	ssyncadd.s32 $0xFFFFFF80  }
0x1b9: {  	v3 =	vld [tilespmem:s26+$0x19000];
	_ =	sdelay $0x1  }
0x1ba: {  	v49 =	vld [tilespmem:s26+$0x19100];
	_ =	sdelay $0x1  }
0x1bb: {  	v50 =	vld [tilespmem:s26+$0x19200]  }
0x1bc: {  	v3 =	vadd.f32 $0.0e+00, v3  }
0x1bd: {  	v51 =	vld [tilespmem:s26+$0x19300]  }
0x1be: {  	v3 =	vadd.f32 v49, v3  }
0x1bf: {  	v52 =	vld [tilespmem:s26+$0x19400]  }
0x1c0: {  	v3 =	vadd.f32 v50, v3  }
0x1c1: {  	v53 =	vld [tilespmem:s26+$0x19500]  }
0x1c2: {  	v3 =	vadd.f32 v51, v3  }
0x1c3: {  	v54 =	vld [tilespmem:s26+$0x19600]  }
0x1c4: {  	v3 =	vadd.f32 v52, v3  }
0x1c5: {  	v55 =	vld [tilespmem:s26+$0x19700]  }
0x1c6: {  	v3 =	vadd.f32 v53, v3  }
0x1c7: {  	v56 =	vld [tilespmem:s26+$0x19800]  }
0x1c8: {  	v3 =	vadd.f32 v54, v3  }
0x1c9: {  	v57 =	vld [tilespmem:s26+$0x19900]  }
0x1ca: {  	v3 =	vadd.f32 v55, v3  }
0x1cb: {  	v58 =	vld [tilespmem:s26+$0x19A00]  }
0x1cc: {  	v3 =	vadd.f32 v56, v3  }
0x1cd: {  	v59 =	vld [tilespmem:s26+$0x19B00]  }
0x1ce: {  	v3 =	vadd.f32 v57, v3  }
0x1cf: {  	v60 =	vld [tilespmem:s26+$0x19C00]  }
0x1d0: {  	v3 =	vadd.f32 v58, v3  }
0x1d1: {  	v61 =	vld [tilespmem:s26+$0x19D00]  }
0x1d2: {  	v3 =	vadd.f32 v59, v3  }
0x1d3: {  	v62 =	vld [tilespmem:s26+$0x19E00]  }
0x1d4: {  	v3 =	vadd.f32 v60, v3  }
0x1d5: {  	v63 =	vld [tilespmem:s26+$0x19F00]  }
0x1d6: {  	v3 =	vadd.f32 v61, v3;
	_ =	sdelay $0x1  }
0x1d7: {  	v3 =	vadd.f32 v62, v3;
	_ =	sdelay $0x1  }
0x1d8: {  	v3 =	vadd.f32 v63, v3;
	_ =	sdelay $0x1  }
0x1d9: {  	v3 =	vmul.f32 $3.814697270e-06, v3  }
0x1da: {  	s31 =	simm.s32 $0x10  }
0x1db: {  	s28 =	simm.s32 $0x20;
	s26 =	sand.u32 $0xF0, s31;
	[tilespmem:s25+$0x0] =	vst v3  }
.LBB2_12:
0x1dc: {  	p0 =	sne.s32 s28, $0xF0;
	v3 =	vld [tilespmem:s26+$0x19000];
	_ =	sdelay $0x1  }
0x1dd: {  	v4 =	vld [tilespmem:s26+$0x19100];
	_ =	sdelay $0x1  }
0x1de: {  	v5 =	vld [tilespmem:s26+$0x19200]  }
0x1df: {  	v3 =	vadd.f32 $0.0e+00, v3  }
0x1e0: {  	v6 =	vld [tilespmem:s26+$0x19300]  }
0x1e1: {  	v3 =	vadd.f32 v4, v3  }
0x1e2: {  	v4 =	vld [tilespmem:s26+$0x19400]  }
0x1e3: {  	v3 =	vadd.f32 v5, v3  }
0x1e4: {  	v5 =	vld [tilespmem:s26+$0x19500]  }
0x1e5: {  	v3 =	vadd.f32 v6, v3  }
0x1e6: {  	v6 =	vld [tilespmem:s26+$0x19600]  }
0x1e7: {  	v3 =	vadd.f32 v4, v3  }
0x1e8: {  	v4 =	vld [tilespmem:s26+$0x19700]  }
0x1e9: {  	v3 =	vadd.f32 v5, v3  }
0x1ea: {  	v5 =	vld [tilespmem:s26+$0x19800]  }
0x1eb: {  	v3 =	vadd.f32 v6, v3  }
0x1ec: {  	v6 =	vld [tilespmem:s26+$0x19900]  }
0x1ed: {  	v3 =	vadd.f32 v4, v3  }
0x1ee: {  	v4 =	vld [tilespmem:s26+$0x19A00]  }
0x1ef: {  	v3 =	vadd.f32 v5, v3  }
0x1f0: {  	v5 =	vld [tilespmem:s26+$0x19B00]  }
0x1f1: {  	v3 =	vadd.f32 v6, v3  }
0x1f2: {  	v6 =	vld [tilespmem:s26+$0x19C00]  }
0x1f3: {  	v3 =	vadd.f32 v4, v3  }
0x1f4: {  	v4 =	vld [tilespmem:s26+$0x19D00]  }
0x1f5: {  	v3 =	vadd.f32 v5, v3  }
0x1f6: {  	v5 =	vld [tilespmem:s26+$0x19E00]  }
0x1f7: {  	v3 =	vadd.f32 v6, v3  }
0x1f8: {  	v6 =	vld [tilespmem:s26+$0x19F00]  }
0x1f9: {  	v3 =	vadd.f32 v4, v3;
	_ =	sdelay $0x1  }
0x1fa: {  	v3 =	vadd.f32 v5, v3;
	_ =	sdelay $0x1  }
.Ltmp5:
0x1fb: {  	v3 =	vadd.f32 v6, v3;
	(pc) =	sbr.rel @p0 .LBB2_12-.Ltmp5, $4  }
0x1fc: {  	_ = 	snop  }
0x1fd: {  	v3 =	vmul.f32 $3.814697270e-06, v3  }
0x1fe: {  	s25 =	sadd.s32 $0x10, s25  }
0x1ff: {  	s26 =	sand.u32 $0xF0, s28;
	s28 =	sadd.s32 $0x10, s28;
	[tilespmem:s25+$0x0] =	vst v3  }
0x200: {  	v3 =	vld [tilespmem:s26+$0x19000];
	_ =	sdelay $0x1  }
0x201: {  	v4 =	vld [tilespmem:s26+$0x19100];
	_ =	sdelay $0x1  }
0x202: {  	v5 =	vld [tilespmem:s26+$0x19200]  }
0x203: {  	v3 =	vadd.f32 $0.0e+00, v3  }
0x204: {  	v6 =	vld [tilespmem:s26+$0x19300]  }
0x205: {  	v3 =	vadd.f32 v4, v3  }
0x206: {  	v52 =	vld [tilespmem:s26+$0x19400]  }
0x207: {  	v3 =	vadd.f32 v5, v3  }
0x208: {  	v53 =	vld [tilespmem:s26+$0x19500]  }
0x209: {  	v3 =	vadd.f32 v6, v3  }
0x20a: {  	v54 =	vld [tilespmem:s26+$0x19600]  }
0x20b: {  	v3 =	vadd.f32 v52, v3  }
0x20c: {  	v55 =	vld [tilespmem:s26+$0x19700]  }
0x20d: {  	v3 =	vadd.f32 v53, v3  }
0x20e: {  	v56 =	vld [tilespmem:s26+$0x19800]  }
0x20f: {  	v3 =	vadd.f32 v54, v3  }
0x210: {  	v57 =	vld [tilespmem:s26+$0x19900]  }
0x211: {  	v3 =	vadd.f32 v55, v3  }
0x212: {  	v58 =	vld [tilespmem:s26+$0x19A00]  }
0x213: {  	v3 =	vadd.f32 v56, v3  }
0x214: {  	v59 =	vld [tilespmem:s26+$0x19B00]  }
0x215: {  	v3 =	vadd.f32 v57, v3  }
0x216: {  	v60 =	vld [tilespmem:s26+$0x19C00]  }
0x217: {  	v3 =	vadd.f32 v58, v3  }
0x218: {  	v61 =	vld [tilespmem:s26+$0x19D00]  }
0x219: {  	v3 =	vadd.f32 v59, v3  }
0x21a: {  	v62 =	vld [tilespmem:s26+$0x19E00]  }
0x21b: {  	v3 =	vadd.f32 v60, v3  }
0x21c: {  	v63 =	vld [tilespmem:s26+$0x19F00]  }
0x21d: {  	v3 =	vadd.f32 v61, v3;
	_ =	sdelay $0x1  }
0x21e: {  	v3 =	vadd.f32 v62, v3;
	_ =	sdelay $0x1  }
0x21f: {  	v3 =	vadd.f32 v63, v3;
	_ =	sdelay $0x1  }
0x220: {  	v3 =	vmul.f32 $3.814697270e-06, v3  }
0x221: {  	s25 =	sadd.s32 $0x10, s25  }
0x222: {  	[tilespmem:s25+$0x0] =	vst v3  }
0x223: {  	[hbm4b:s10+s3] =	stream.linear.scatter [tilespmem:s23], [sflag:$0x3], $0x80, $0x38;
	[tilespmem:$0x1A100] =	vst v63  }
0x224: {  	s24 =	sadd.s32 $0x1, s24;
	_ =	swait.ge [sflag:s21], $0x80  }
0x225: {  	p0 =	sne.s32 s24, s12;
	[sflag:s21] =	ssyncset.done $0x0  }
.Ltmp6:
0x226: {  	[sflag:s21] =	ssyncadd.s32 $0xFFFFFF80;
	(pc) =	sbr.rel @p0 .LBB2_1-.Ltmp6, $4  }
0x227: {  	[hbm4b:s11+s3] =	stream.linear.scatter [tilespmem:s22], [sflag:$0x3], $0x80, $0x38;
	[tilespmem:$0x1A100] =	vst v63  }
0x228: {  	_ =	swait.ge [sflag:s21], $0x80  }
0x229: {  	[sflag:s21] =	ssyncset.done $0x0  }
0x22a: {  	[sflag:s21] =	ssyncadd.s32 $0xFFFFFF80  }
0x22b: {  	_ =	sfence.sel $0x180000  }
0x22c: {  	[bflag:$0x0] =	sbarrier.arrive $0xFFFF  }
0x22d: {  	p0 =	sne.s32 s0, $0x0;
	_ =	strace $0x90000047  }
0x22e: {  	s0 =	sadd.s32 @!p0 $0x100000, s1;
	[bflag:$0x2] =	sbarrier.arrive $0xFFFF  }
0x22f: {  	[sflag:s0] =	ssyncadd.tile.s32 @!p0 $0x1;
	_ =	shalt  }
.Lfunc_end2:
_tile_overlayer_lowered:
.L_overlay_start_2:
0x230: {  	(tag) =	ssettag $0x2  }
0x231: {  	s0 =	rddreg [dreg:$0x0];
	s2 =	stileid.u32  }
0x232: {  	s1 =	rddreg [dreg:$0x1];
	p0 =	sne.s32 s2, $0x0  }
0x233: {  	s3 =	rddreg [dreg:$0x2];
	[bflag:$0x3] =	sbarrier.arrive $0xFFFF;
	s2 =	simm.s32 @!p0 $0x1C03  }
0x234: {  	[timem:s3], [sflag:s2] =	dma.local @!p0 [hbm:s0], s1  }
0x235: {  	s0 =	simm.s32 @!p0 $0x3  }
0x236: {  	_ =	swait.ge @!p0 [sflag:s0], s1  }
0x237: {  	s1 =	ssub.s32 @!p0 $0x0, s1;
	[sflag:s0] =	ssyncset.done @!p0 $0x0  }
0x238: {  	[sflag:s0] =	ssyncadd.s32 @!p0 s1  }
0x239: {  	[bflag:$0x3] =	sbarrier.arrive $0xFFFF  }
0x23a: {  	_ =	shalt  }

</sc_bundles>
